<compile_context>
chip_gen: v7x
topology: tpu7x:2x2x1
jax: 0.10.2.dev20260603
libtpu: 0.0.44.dev20260713+nightly
codegen_flags: <defaults>
</compile_context>

<pallas_src>
import jax
import jax.numpy as jnp
from jax import lax
from jax.experimental import pallas as pl
from jax.experimental.pallas import tpu as pltpu
from jax.experimental.pallas import tpu_sc as plsc

BATCH = 4096
HIST = 200
D_MODEL = 64
D_PAD = 128
B_TOTAL = BATCH * HIST

NUM_CORES = 2
NUM_SUBCORES = 16
NW = NUM_CORES * NUM_SUBCORES
B_PER_W = B_TOTAL // NW

CH = 160
NB = 2
NCH = B_PER_W // CH


def _gather_body(idx_hbm, table_hbm, out_hbm, *scratch):
    idx_all = scratch[0]
    rows_v = scratch[1 : NB + 1]
    pack_v = scratch[NB + 1 : 2 * NB + 1]
    gsem = scratch[2 * NB + 1 : 3 * NB + 1]
    osem = scratch[3 * NB + 1 :]
    wid = lax.axis_index("s") * NUM_CORES + lax.axis_index("c")
    base = wid * B_PER_W

    pltpu.sync_copy(idx_hbm.at[pl.ds(base, B_PER_W)], idx_all)

    def fire_gather(g, s):
        pltpu.async_copy(
            table_hbm.at[idx_all.at[pl.ds(g * CH, CH)]], rows_v[s], gsem[s]
        )

    def wait_gather(s):
        pltpu.make_async_copy(
            table_hbm.at[idx_all.at[pl.ds(0, CH)]], rows_v[s], gsem[s]
        ).wait()

    def fire_out(g, s):
        off = base + g * CH
        pltpu.async_copy(pack_v[s], out_hbm.at[pl.ds(off, CH)], osem[s])

    def wait_out(g, s):
        off = base + g * CH
        pltpu.make_async_copy(
            pack_v[s], out_hbm.at[pl.ds(off, CH)], osem[s]
        ).wait()

    def compact(s):
        @pl.loop(0, CH, step=4)
        def _row(j):
            for jj in range(4):
                for k in range(D_MODEL // 16):
                    pack_v[s][j + jj, pl.ds(16 * k, 16)] = rows_v[s][
                        j + jj, pl.ds(16 * k, 16)
                    ]

    for s in range(NB):
        fire_gather(s, s)
    for s in range(NB):
        wait_gather(s)
        compact(s)
        fire_out(s, s)
        fire_gather(s + NB, s)

    @pl.loop(NB, NCH - NB, step=NB)
    def _ring(p):
        for s in range(NB):
            g = p + s
            wait_gather(s)
            wait_out(g - NB, s)
            compact(s)
            fire_gather(g + NB, s)
            fire_out(g, s)

    for s in range(NB):
        g = NCH - NB + s
        wait_gather(s)
        wait_out(g - NB, s)
        compact(s)
        fire_out(g, s)
    for s in range(NB):
        wait_out(NCH - NB + s, s)


@jax.jit
def _embed_lookup(idx_flat, table128):
    mesh = plsc.VectorSubcoreMesh(core_axis_name="c", subcore_axis_name="s")
    grid_kernel = pl.kernel(
        _gather_body,
        out_type=jax.ShapeDtypeStruct((B_TOTAL, D_MODEL), jnp.float32),
        mesh=mesh,
        scratch_types=[pltpu.VMEM((B_PER_W,), jnp.int32)]
        + [pltpu.VMEM((CH, D_PAD), jnp.float32)] * NB
        + [pltpu.VMEM((CH, D_MODEL), jnp.float32)] * NB
        + [pltpu.SemaphoreType.DMA] * (2 * NB),
    )
    return grid_kernel(idx_flat, table128)


def kernel(x, order, embed_weight):
    idx_flat = x.reshape(B_TOTAL).astype(jnp.int32)
    table128 = jnp.pad(embed_weight, ((0, 0), (0, D_PAD - D_MODEL)))
    out = _embed_lookup(idx_flat, table128)
    return out.reshape(BATCH, HIST, D_MODEL)

# --- scband reference (transcript-rebuilt; emitter-appended) ---
"""Pipeline reference for scband-seasonality-embedding-16217796510148 (READ-ONLY COPY).

The authoritative reference and input builder live on the scoring server;
editing this copy changes nothing except your own understanding.
"""

import jax, jax.numpy as jnp
import numpy as np

C_IN = 100000
D_MODEL = 64
BATCH = 4096
HIST = 200

def setup_inputs(seed: int = 0) -> dict:
    key = jax.random.key(seed)
    k_idx, k_emb = jax.random.split(key)
    x = jax.random.randint(k_idx, (BATCH, HIST), 0, C_IN, dtype=jnp.int64)
    embed_weight = jax.random.normal(k_emb, (C_IN, D_MODEL), dtype=jnp.float32)
    order = 1
    return {"x": x, "order": order, "embed_weight": embed_weight}

def reference(x, order, embed_weight):
    # Faithful embedding lookup: out = self.embed(x)
    # (original forward body is incomplete; the module's only functional
    #  component is the nn.Embedding(c_in, d_model) lookup; `order` is an
    #  unused scalar arg kept for signature fidelity)
    out = jnp.take(embed_weight, x, axis=0)
    return out

if __name__ == "__main__":
    import jax
    _d = setup_inputs()
    print(jax.jit(kernel)(*tuple(_d.values())))

</pallas_src>

<mosaic_0001>
#map = affine_map<(d0, d1) -> (0)>
#map1 = affine_map<(d0, d1) -> (0, 0)>
module attributes {stable_mosaic.version = 14 : i64} {
  func.func @_gather_body(%arg0: i32, %arg1: i32, %arg2: memref<819200xi32, #tpu.memory_space<hbm>>, %arg3: memref<100000x128xf32, #tpu.memory_space<hbm>>, %arg4: memref<819200x64xf32, #tpu.memory_space<hbm>>, %arg5: memref<25600xi32, #tpu.memory_space<vmem>>, %arg6: memref<160x128xf32, #tpu.memory_space<vmem>>, %arg7: memref<160x128xf32, #tpu.memory_space<vmem>>, %arg8: memref<160x64xf32, #tpu.memory_space<vmem>>, %arg9: memref<160x64xf32, #tpu.memory_space<vmem>>, %arg10: memref<!tpu.dma_semaphore, #tpu.memory_space<semaphore_mem>>, %arg11: memref<!tpu.dma_semaphore, #tpu.memory_space<semaphore_mem>>, %arg12: memref<!tpu.dma_semaphore, #tpu.memory_space<semaphore_mem>>, %arg13: memref<!tpu.dma_semaphore, #tpu.memory_space<semaphore_mem>>) attributes {dimension_semantics = [#tpu.dimension_semantics<core_parallel>, #tpu.dimension_semantics<subcore_parallel>], iteration_bounds = array<i64: 2, 16>, scalar_prefetch = 0 : i64, scratch_operands = 9 : i64, tpu.core_type = #tpu.core_type<sc_vector_subcore>, window_params = [{transform_indices = #map}, {transform_indices = #map1}, {transform_indices = #map1}]} {
    %mul3A = arith.constant 2 : i32
    %mul3A_0 = arith.muli %arg1, %mul3A : i32
    %add3A = arith.addi %mul3A_0, %arg0 : i32
    %mul3A_1 = arith.constant 25600 : i32
    %mul3A_2 = arith.muli %add3A, %mul3A_1 : i32
    "tpu.region"() ({
      %run_scoped3A = tpu.sem_alloc : memref<!tpu.dma_semaphore, #tpu.memory_space<semaphore_mem>>
      %dma_start3A_113 = tpu.memref_slice %arg2[%mul3A_2] : memref<819200xi32, #tpu.memory_space<hbm>> -> memref<25600xi32, #tpu.memory_space<hbm>>
      %dma_start3A_114 = tpu.memref_slice %arg2[%mul3A_2] : memref<819200xi32, #tpu.memory_space<hbm>> -> memref<25600xi32, #tpu.memory_space<hbm>>
      tpu.enqueue_dma source(%dma_start3A_114 : memref<25600xi32, #tpu.memory_space<hbm>>) target(%arg5 : memref<25600xi32, #tpu.memory_space<vmem>>) target_semaphore(%run_scoped3A : memref<!tpu.dma_semaphore, #tpu.memory_space<semaphore_mem>>)
      %dma_wait3A_115 = tpu.memref_slice %arg2[%mul3A_2] : memref<819200xi32, #tpu.memory_space<hbm>> -> memref<25600xi32, #tpu.memory_space<hbm>>
      %dma_wait3A_116 = tpu.memref_slice %arg2[%mul3A_2] : memref<819200xi32, #tpu.memory_space<hbm>> -> memref<25600xi32, #tpu.memory_space<hbm>>
      tpu.wait_dma2 semaphore(%run_scoped3A : memref<!tpu.dma_semaphore, #tpu.memory_space<semaphore_mem>>) src(%dma_wait3A_116 : memref<25600xi32, #tpu.memory_space<hbm>>) dst(%arg5 : memref<25600xi32, #tpu.memory_space<vmem>>)
      tpu.yield
    }) : () -> ()
    %dma_start3A = arith.constant 0 : i32
    %dma_start3A_3 = tpu.memref_slice %arg5[%dma_start3A] : memref<25600xi32, #tpu.memory_space<vmem>> -> memref<160xi32, #tpu.memory_space<vmem>>
    %dma_start3A_4 = arith.constant 0 : i32
    %dma_start3A_5 = arith.constant 0 : i32
    %dma_start3A_6 = tpu.memref_slice %arg3[%dma_start3A_4, %dma_start3A_5] : memref<100000x128xf32, #tpu.memory_space<hbm>> -> memref<100000x128xf32, #tpu.memory_space<hbm>>
    tpu.enqueue_indirect_dma source(%dma_start3A_6 : memref<100000x128xf32, #tpu.memory_space<hbm>>) target(%arg6 : memref<160x128xf32, #tpu.memory_space<vmem>>) offsets(%dma_start3A_3 : memref<160xi32, #tpu.memory_space<vmem>>) semaphore(%arg10 : memref<!tpu.dma_semaphore, #tpu.memory_space<semaphore_mem>>)
    %dma_start3A_7 = arith.constant 160 : i32
    %dma_start3A_8 = tpu.memref_slice %arg5[%dma_start3A_7] : memref<25600xi32, #tpu.memory_space<vmem>> -> memref<160xi32, #tpu.memory_space<vmem>>
    %dma_start3A_9 = arith.constant 0 : i32
    %dma_start3A_10 = arith.constant 0 : i32
    %dma_start3A_11 = tpu.memref_slice %arg3[%dma_start3A_9, %dma_start3A_10] : memref<100000x128xf32, #tpu.memory_space<hbm>> -> memref<100000x128xf32, #tpu.memory_space<hbm>>
    tpu.enqueue_indirect_dma source(%dma_start3A_11 : memref<100000x128xf32, #tpu.memory_space<hbm>>) target(%arg7 : memref<160x128xf32, #tpu.memory_space<vmem>>) offsets(%dma_start3A_8 : memref<160xi32, #tpu.memory_space<vmem>>) semaphore(%arg11 : memref<!tpu.dma_semaphore, #tpu.memory_space<semaphore_mem>>)
    %dma_wait3A = arith.constant 0 : i32
    %dma_wait3A_12 = tpu.memref_slice %arg5[%dma_wait3A] : memref<25600xi32, #tpu.memory_space<vmem>> -> memref<160xi32, #tpu.memory_space<vmem>>
    %dma_wait3A_13 = arith.constant 0 : i32
    %dma_wait3A_14 = arith.constant 0 : i32
    %dma_wait3A_15 = tpu.memref_slice %arg3[%dma_wait3A_13, %dma_wait3A_14] : memref<100000x128xf32, #tpu.memory_space<hbm>> -> memref<100000x128xf32, #tpu.memory_space<hbm>>
    tpu.wait_indirect_dma semaphore(%arg10 : memref<!tpu.dma_semaphore, #tpu.memory_space<semaphore_mem>>) src(%dma_wait3A_15 : memref<100000x128xf32, #tpu.memory_space<hbm>>) dst(%arg6 : memref<160x128xf32, #tpu.memory_space<vmem>>)
    %scan3A = arith.constant 0 : i32
    %scan3A_16 = arith.constant 40 : i32
    %scan3A_17 = arith.addi %scan3A, %scan3A_16 : i32
    %scan3A_18 = arith.constant 1 : i32
    scf.for %scan3A_113 = %scan3A to %scan3A_17 step %scan3A_18  : i32 {
      %mul3A_114 = arith.constant 4 : i32
      %mul3A_115 = arith.muli %scan3A_113, %mul3A_114 : i32
      %add3A_116 = arith.constant 0 : i32
      %add3A_117 = arith.addi %add3A_116, %mul3A_115 : i32
      %add3A_118 = arith.constant 0 : i32
      %add3A_119 = arith.addi %add3A_117, %add3A_118 : i32
      %get3A = arith.index_cast %add3A_119 : i32 to index
      %get3A_120 = arith.constant 0 : index
      %get3A_121 = tpu.vector_load %arg6[%get3A, %get3A_120] {strides = array<i32>} : memref<160x128xf32, #tpu.memory_space<vmem>>, vector<1x16xf32>,
      %get3A_122 = vector.shape_cast %get3A_121 : vector<1x16xf32> to vector<16xf32>
      %add3A_123 = arith.constant 0 : i32
      %add3A_124 = arith.addi %add3A_117, %add3A_123 : i32
      %swap3A = arith.index_cast %add3A_124 : i32 to index
      %swap3A_125 = arith.constant 0 : index
      %swap3A_126 = tpu.vector_load %arg8[%swap3A, %swap3A_125] {strides = array<i32>} : memref<160x64xf32, #tpu.memory_space<vmem>>, vector<1x16xf32>,
      %swap3A_127 = vector.shape_cast %swap3A_126 : vector<1x16xf32> to vector<16xf32>
      %swap3A_128 = vector.shape_cast %get3A_122 : vector<16xf32> to vector<1x16xf32>
      tpu.vector_store %arg8[%swap3A, %swap3A_125], %swap3A_128 {strides = array<i32>} : memref<160x64xf32, #tpu.memory_space<vmem>>, vector<1x16xf32>,
      %add3A_129 = arith.constant 0 : i32
      %add3A_130 = arith.addi %add3A_117, %add3A_129 : i32
      %get3A_131 = arith.index_cast %add3A_130 : i32 to index
      %get3A_132 = arith.constant 16 : index
      %get3A_133 = tpu.vector_load %arg6[%get3A_131, %get3A_132] {strides = array<i32>} : memref<160x128xf32, #tpu.memory_space<vmem>>, vector<1x16xf32>,
      %get3A_134 = vector.shape_cast %get3A_133 : vector<1x16xf32> to vector<16xf32>
      %add3A_135 = arith.constant 0 : i32
      %add3A_136 = arith.addi %add3A_117, %add3A_135 : i32
      %swap3A_137 = arith.index_cast %add3A_136 : i32 to index
      %swap3A_138 = arith.constant 16 : index
      %swap3A_139 = tpu.vector_load %arg8[%swap3A_137, %swap3A_138] {strides = array<i32>} : memref<160x64xf32, #tpu.memory_space<vmem>>, vector<1x16xf32>,
      %swap3A_140 = vector.shape_cast %swap3A_139 : vector<1x16xf32> to vector<16xf32>
      %swap3A_141 = vector.shape_cast %get3A_134 : vector<16xf32> to vector<1x16xf32>
      tpu.vector_store %arg8[%swap3A_137, %swap3A_138], %swap3A_141 {strides = array<i32>} : memref<160x64xf32, #tpu.memory_space<vmem>>, vector<1x16xf32>,
      %add3A_142 = arith.constant 0 : i32
      %add3A_143 = arith.addi %add3A_117, %add3A_142 : i32
      %get3A_144 = arith.index_cast %add3A_143 : i32 to index
      %get3A_145 = arith.constant 32 : index
      %get3A_146 = tpu.vector_load %arg6[%get3A_144, %get3A_145] {strides = array<i32>} : memref<160x128xf32, #tpu.memory_space<vmem>>, vector<1x16xf32>,
      %get3A_147 = vector.shape_cast %get3A_146 : vector<1x16xf32> to vector<16xf32>
      %add3A_148 = arith.constant 0 : i32
      %add3A_149 = arith.addi %add3A_117, %add3A_148 : i32
      %swap3A_150 = arith.index_cast %add3A_149 : i32 to index
      %swap3A_151 = arith.constant 32 : index
      %swap3A_152 = tpu.vector_load %arg8[%swap3A_150, %swap3A_151] {strides = array<i32>} : memref<160x64xf32, #tpu.memory_space<vmem>>, vector<1x16xf32>,
      %swap3A_153 = vector.shape_cast %swap3A_152 : vector<1x16xf32> to vector<16xf32>
      %swap3A_154 = vector.shape_cast %get3A_147 : vector<16xf32> to vector<1x16xf32>
      tpu.vector_store %arg8[%swap3A_150, %swap3A_151], %swap3A_154 {strides = array<i32>} : memref<160x64xf32, #tpu.memory_space<vmem>>, vector<1x16xf32>,
      %add3A_155 = arith.constant 0 : i32
      %add3A_156 = arith.addi %add3A_117, %add3A_155 : i32
      %get3A_157 = arith.index_cast %add3A_156 : i32 to index
      %get3A_158 = arith.constant 48 : index
      %get3A_159 = tpu.vector_load %arg6[%get3A_157, %get3A_158] {strides = array<i32>} : memref<160x128xf32, #tpu.memory_space<vmem>>, vector<1x16xf32>,
      %get3A_160 = vector.shape_cast %get3A_159 : vector<1x16xf32> to vector<16xf32>
      %add3A_161 = arith.constant 0 : i32
      %add3A_162 = arith.addi %add3A_117, %add3A_161 : i32
      %swap3A_163 = arith.index_cast %add3A_162 : i32 to index
      %swap3A_164 = arith.constant 48 : index
      %swap3A_165 = tpu.vector_load %arg8[%swap3A_163, %swap3A_164] {strides = array<i32>} : memref<160x64xf32, #tpu.memory_space<vmem>>, vector<1x16xf32>,
      %swap3A_166 = vector.shape_cast %swap3A_165 : vector<1x16xf32> to vector<16xf32>
      %swap3A_167 = vector.shape_cast %get3A_160 : vector<16xf32> to vector<1x16xf32>
      tpu.vector_store %arg8[%swap3A_163, %swap3A_164], %swap3A_167 {strides = array<i32>} : memref<160x64xf32, #tpu.memory_space<vmem>>, vector<1x16xf32>,
      %add3A_168 = arith.constant 1 : i32
      %add3A_169 = arith.addi %add3A_117, %add3A_168 : i32
      %get3A_170 = arith.index_cast %add3A_169 : i32 to index
      %get3A_171 = arith.constant 0 : index
      %get3A_172 = tpu.vector_load %arg6[%get3A_170, %get3A_171] {strides = array<i32>} : memref<160x128xf32, #tpu.memory_space<vmem>>, vector<1x16xf32>,
      %get3A_173 = vector.shape_cast %get3A_172 : vector<1x16xf32> to vector<16xf32>
      %add3A_174 = arith.constant 1 : i32
      %add3A_175 = arith.addi %add3A_117, %add3A_174 : i32
      %swap3A_176 = arith.index_cast %add3A_175 : i32 to index
      %swap3A_177 = arith.constant 0 : index
      %swap3A_178 = tpu.vector_load %arg8[%swap3A_176, %swap3A_177] {strides = array<i32>} : memref<160x64xf32, #tpu.memory_space<vmem>>, vector<1x16xf32>,
      %swap3A_179 = vector.shape_cast %swap3A_178 : vector<1x16xf32> to vector<16xf32>
      %swap3A_180 = vector.shape_cast %get3A_173 : vector<16xf32> to vector<1x16xf32>
      tpu.vector_store %arg8[%swap3A_176, %swap3A_177], %swap3A_180 {strides = array<i32>} : memref<160x64xf32, #tpu.memory_space<vmem>>, vector<1x16xf32>,
      %add3A_181 = arith.constant 1 : i32
      %add3A_182 = arith.addi %add3A_117, %add3A_181 : i32
      %get3A_183 = arith.index_cast %add3A_182 : i32 to index
      %get3A_184 = arith.constant 16 : index
      %get3A_185 = tpu.vector_load %arg6[%get3A_183, %get3A_184] {strides = array<i32>} : memref<160x128xf32, #tpu.memory_space<vmem>>, vector<1x16xf32>,
      %get3A_186 = vector.shape_cast %get3A_185 : vector<1x16xf32> to vector<16xf32>
      %add3A_187 = arith.constant 1 : i32
      %add3A_188 = arith.addi %add3A_117, %add3A_187 : i32
      %swap3A_189 = arith.index_cast %add3A_188 : i32 to index
      %swap3A_190 = arith.constant 16 : index
      %swap3A_191 = tpu.vector_load %arg8[%swap3A_189, %swap3A_190] {strides = array<i32>} : memref<160x64xf32, #tpu.memory_space<vmem>>, vector<1x16xf32>,
      %swap3A_192 = vector.shape_cast %swap3A_191 : vector<1x16xf32> to vector<16xf32>
      %swap3A_193 = vector.shape_cast %get3A_186 : vector<16xf32> to vector<1x16xf32>
      tpu.vector_store %arg8[%swap3A_189, %swap3A_190], %swap3A_193 {strides = array<i32>} : memref<160x64xf32, #tpu.memory_space<vmem>>, vector<1x16xf32>,
      %add3A_194 = arith.constant 1 : i32
      %add3A_195 = arith.addi %add3A_117, %add3A_194 : i32
      %get3A_196 = arith.index_cast %add3A_195 : i32 to index
      %get3A_197 = arith.constant 32 : index
      %get3A_198 = tpu.vector_load %arg6[%get3A_196, %get3A_197] {strides = array<i32>} : memref<160x128xf32, #tpu.memory_space<vmem>>, vector<1x16xf32>,
      %get3A_199 = vector.shape_cast %get3A_198 : vector<1x16xf32> to vector<16xf32>
      %add3A_200 = arith.constant 1 : i32
      %add3A_201 = arith.addi %add3A_117, %add3A_200 : i32
      %swap3A_202 = arith.index_cast %add3A_201 : i32 to index
      %swap3A_203 = arith.constant 32 : index
      %swap3A_204 = tpu.vector_load %arg8[%swap3A_202, %swap3A_203] {strides = array<i32>} : memref<160x64xf32, #tpu.memory_space<vmem>>, vector<1x16xf32>,
      %swap3A_205 = vector.shape_cast %swap3A_204 : vector<1x16xf32> to vector<16xf32>
      %swap3A_206 = vector.shape_cast %get3A_199 : vector<16xf32> to vector<1x16xf32>
      tpu.vector_store %arg8[%swap3A_202, %swap3A_203], %swap3A_206 {strides = array<i32>} : memref<160x64xf32, #tpu.memory_space<vmem>>, vector<1x16xf32>,
      %add3A_207 = arith.constant 1 : i32
      %add3A_208 = arith.addi %add3A_117, %add3A_207 : i32
      %get3A_209 = arith.index_cast %add3A_208 : i32 to index
      %get3A_210 = arith.constant 48 : index
      %get3A_211 = tpu.vector_load %arg6[%get3A_209, %get3A_210] {strides = array<i32>} : memref<160x128xf32, #tpu.memory_space<vmem>>, vector<1x16xf32>,
      %get3A_212 = vector.shape_cast %get3A_211 : vector<1x16xf32> to vector<16xf32>
      %add3A_213 = arith.constant 1 : i32
      %add3A_214 = arith.addi %add3A_117, %add3A_213 : i32
      %swap3A_215 = arith.index_cast %add3A_214 : i32 to index
      %swap3A_216 = arith.constant 48 : index
      %swap3A_217 = tpu.vector_load %arg8[%swap3A_215, %swap3A_216] {strides = array<i32>} : memref<160x64xf32, #tpu.memory_space<vmem>>, vector<1x16xf32>,
      %swap3A_218 = vector.shape_cast %swap3A_217 : vector<1x16xf32> to vector<16xf32>
      %swap3A_219 = vector.shape_cast %get3A_212 : vector<16xf32> to vector<1x16xf32>
      tpu.vector_store %arg8[%swap3A_215, %swap3A_216], %swap3A_219 {strides = array<i32>} : memref<160x64xf32, #tpu.memory_space<vmem>>, vector<1x16xf32>,
      %add3A_220 = arith.constant 2 : i32
      %add3A_221 = arith.addi %add3A_117, %add3A_220 : i32
      %get3A_222 = arith.index_cast %add3A_221 : i32 to index
      %get3A_223 = arith.constant 0 : index
      %get3A_224 = tpu.vector_load %arg6[%get3A_222, %get3A_223] {strides = array<i32>} : memref<160x128xf32, #tpu.memory_space<vmem>>, vector<1x16xf32>,
      %get3A_225 = vector.shape_cast %get3A_224 : vector<1x16xf32> to vector<16xf32>
      %add3A_226 = arith.constant 2 : i32
      %add3A_227 = arith.addi %add3A_117, %add3A_226 : i32
      %swap3A_228 = arith.index_cast %add3A_227 : i32 to index
      %swap3A_229 = arith.constant 0 : index
      %swap3A_230 = tpu.vector_load %arg8[%swap3A_228, %swap3A_229] {strides = array<i32>} : memref<160x64xf32, #tpu.memory_space<vmem>>, vector<1x16xf32>,
      %swap3A_231 = vector.shape_cast %swap3A_230 : vector<1x16xf32> to vector<16xf32>
      %swap3A_232 = vector.shape_cast %get3A_225 : vector<16xf32> to vector<1x16xf32>
      tpu.vector_store %arg8[%swap3A_228, %swap3A_229], %swap3A_232 {strides = array<i32>} : memref<160x64xf32, #tpu.memory_space<vmem>>, vector<1x16xf32>,
      %add3A_233 = arith.constant 2 : i32
      %add3A_234 = arith.addi %add3A_117, %add3A_233 : i32
      %get3A_235 = arith.index_cast %add3A_234 : i32 to index
      %get3A_236 = arith.constant 16 : index
      %get3A_237 = tpu.vector_load %arg6[%get3A_235, %get3A_236] {strides = array<i32>} : memref<160x128xf32, #tpu.memory_space<vmem>>, vector<1x16xf32>,
      %get3A_238 = vector.shape_cast %get3A_237 : vector<1x16xf32> to vector<16xf32>
      %add3A_239 = arith.constant 2 : i32
      %add3A_240 = arith.addi %add3A_117, %add3A_239 : i32
      %swap3A_241 = arith.index_cast %add3A_240 : i32 to index
      %swap3A_242 = arith.constant 16 : index
      %swap3A_243 = tpu.vector_load %arg8[%swap3A_241, %swap3A_242] {strides = array<i32>} : memref<160x64xf32, #tpu.memory_space<vmem>>, vector<1x16xf32>,
      %swap3A_244 = vector.shape_cast %swap3A_243 : vector<1x16xf32> to vector<16xf32>
      %swap3A_245 = vector.shape_cast %get3A_238 : vector<16xf32> to vector<1x16xf32>
      tpu.vector_store %arg8[%swap3A_241, %swap3A_242], %swap3A_245 {strides = array<i32>} : memref<160x64xf32, #tpu.memory_space<vmem>>, vector<1x16xf32>,
      %add3A_246 = arith.constant 2 : i32
      %add3A_247 = arith.addi %add3A_117, %add3A_246 : i32
      %get3A_248 = arith.index_cast %add3A_247 : i32 to index
      %get3A_249 = arith.constant 32 : index
      %get3A_250 = tpu.vector_load %arg6[%get3A_248, %get3A_249] {strides = array<i32>} : memref<160x128xf32, #tpu.memory_space<vmem>>, vector<1x16xf32>,
      %get3A_251 = vector.shape_cast %get3A_250 : vector<1x16xf32> to vector<16xf32>
      %add3A_252 = arith.constant 2 : i32
      %add3A_253 = arith.addi %add3A_117, %add3A_252 : i32
      %swap3A_254 = arith.index_cast %add3A_253 : i32 to index
      %swap3A_255 = arith.constant 32 : index
      %swap3A_256 = tpu.vector_load %arg8[%swap3A_254, %swap3A_255] {strides = array<i32>} : memref<160x64xf32, #tpu.memory_space<vmem>>, vector<1x16xf32>,
      %swap3A_257 = vector.shape_cast %swap3A_256 : vector<1x16xf32> to vector<16xf32>
      %swap3A_258 = vector.shape_cast %get3A_251 : vector<16xf32> to vector<1x16xf32>
      tpu.vector_store %arg8[%swap3A_254, %swap3A_255], %swap3A_258 {strides = array<i32>} : memref<160x64xf32, #tpu.memory_space<vmem>>, vector<1x16xf32>,
      %add3A_259 = arith.constant 2 : i32
      %add3A_260 = arith.addi %add3A_117, %add3A_259 : i32
      %get3A_261 = arith.index_cast %add3A_260 : i32 to index
      %get3A_262 = arith.constant 48 : index
      %get3A_263 = tpu.vector_load %arg6[%get3A_261, %get3A_262] {strides = array<i32>} : memref<160x128xf32, #tpu.memory_space<vmem>>, vector<1x16xf32>,
      %get3A_264 = vector.shape_cast %get3A_263 : vector<1x16xf32> to vector<16xf32>
      %add3A_265 = arith.constant 2 : i32
      %add3A_266 = arith.addi %add3A_117, %add3A_265 : i32
      %swap3A_267 = arith.index_cast %add3A_266 : i32 to index
      %swap3A_268 = arith.constant 48 : index
      %swap3A_269 = tpu.vector_load %arg8[%swap3A_267, %swap3A_268] {strides = array<i32>} : memref<160x64xf32, #tpu.memory_space<vmem>>, vector<1x16xf32>,
      %swap3A_270 = vector.shape_cast %swap3A_269 : vector<1x16xf32> to vector<16xf32>
      %swap3A_271 = vector.shape_cast %get3A_264 : vector<16xf32> to vector<1x16xf32>
      tpu.vector_store %arg8[%swap3A_267, %swap3A_268], %swap3A_271 {strides = array<i32>} : memref<160x64xf32, #tpu.memory_space<vmem>>, vector<1x16xf32>,
      %add3A_272 = arith.constant 3 : i32
      %add3A_273 = arith.addi %add3A_117, %add3A_272 : i32
      %get3A_274 = arith.index_cast %add3A_273 : i32 to index
      %get3A_275 = arith.constant 0 : index
      %get3A_276 = tpu.vector_load %arg6[%get3A_274, %get3A_275] {strides = array<i32>} : memref<160x128xf32, #tpu.memory_space<vmem>>, vector<1x16xf32>,
      %get3A_277 = vector.shape_cast %get3A_276 : vector<1x16xf32> to vector<16xf32>
      %add3A_278 = arith.constant 3 : i32
      %add3A_279 = arith.addi %add3A_117, %add3A_278 : i32
      %swap3A_280 = arith.index_cast %add3A_279 : i32 to index
      %swap3A_281 = arith.constant 0 : index
      %swap3A_282 = tpu.vector_load %arg8[%swap3A_280, %swap3A_281] {strides = array<i32>} : memref<160x64xf32, #tpu.memory_space<vmem>>, vector<1x16xf32>,
      %swap3A_283 = vector.shape_cast %swap3A_282 : vector<1x16xf32> to vector<16xf32>
      %swap3A_284 = vector.shape_cast %get3A_277 : vector<16xf32> to vector<1x16xf32>
      tpu.vector_store %arg8[%swap3A_280, %swap3A_281], %swap3A_284 {strides = array<i32>} : memref<160x64xf32, #tpu.memory_space<vmem>>, vector<1x16xf32>,
      %add3A_285 = arith.constant 3 : i32
      %add3A_286 = arith.addi %add3A_117, %add3A_285 : i32
      %get3A_287 = arith.index_cast %add3A_286 : i32 to index
      %get3A_288 = arith.constant 16 : index
      %get3A_289 = tpu.vector_load %arg6[%get3A_287, %get3A_288] {strides = array<i32>} : memref<160x128xf32, #tpu.memory_space<vmem>>, vector<1x16xf32>,
      %get3A_290 = vector.shape_cast %get3A_289 : vector<1x16xf32> to vector<16xf32>
      %add3A_291 = arith.constant 3 : i32
      %add3A_292 = arith.addi %add3A_117, %add3A_291 : i32
      %swap3A_293 = arith.index_cast %add3A_292 : i32 to index
      %swap3A_294 = arith.constant 16 : index
      %swap3A_295 = tpu.vector_load %arg8[%swap3A_293, %swap3A_294] {strides = array<i32>} : memref<160x64xf32, #tpu.memory_space<vmem>>, vector<1x16xf32>,
      %swap3A_296 = vector.shape_cast %swap3A_295 : vector<1x16xf32> to vector<16xf32>
      %swap3A_297 = vector.shape_cast %get3A_290 : vector<16xf32> to vector<1x16xf32>
      tpu.vector_store %arg8[%swap3A_293, %swap3A_294], %swap3A_297 {strides = array<i32>} : memref<160x64xf32, #tpu.memory_space<vmem>>, vector<1x16xf32>,
      %add3A_298 = arith.constant 3 : i32
      %add3A_299 = arith.addi %add3A_117, %add3A_298 : i32
      %get3A_300 = arith.index_cast %add3A_299 : i32 to index
      %get3A_301 = arith.constant 32 : index
      %get3A_302 = tpu.vector_load %arg6[%get3A_300, %get3A_301] {strides = array<i32>} : memref<160x128xf32, #tpu.memory_space<vmem>>, vector<1x16xf32>,
      %get3A_303 = vector.shape_cast %get3A_302 : vector<1x16xf32> to vector<16xf32>
      %add3A_304 = arith.constant 3 : i32
      %add3A_305 = arith.addi %add3A_117, %add3A_304 : i32
      %swap3A_306 = arith.index_cast %add3A_305 : i32 to index
      %swap3A_307 = arith.constant 32 : index
      %swap3A_308 = tpu.vector_load %arg8[%swap3A_306, %swap3A_307] {strides = array<i32>} : memref<160x64xf32, #tpu.memory_space<vmem>>, vector<1x16xf32>,
      %swap3A_309 = vector.shape_cast %swap3A_308 : vector<1x16xf32> to vector<16xf32>
      %swap3A_310 = vector.shape_cast %get3A_303 : vector<16xf32> to vector<1x16xf32>
      tpu.vector_store %arg8[%swap3A_306, %swap3A_307], %swap3A_310 {strides = array<i32>} : memref<160x64xf32, #tpu.memory_space<vmem>>, vector<1x16xf32>,
      %add3A_311 = arith.constant 3 : i32
      %add3A_312 = arith.addi %add3A_117, %add3A_311 : i32
      %get3A_313 = arith.index_cast %add3A_312 : i32 to index
      %get3A_314 = arith.constant 48 : index
      %get3A_315 = tpu.vector_load %arg6[%get3A_313, %get3A_314] {strides = array<i32>} : memref<160x128xf32, #tpu.memory_space<vmem>>, vector<1x16xf32>,
      %get3A_316 = vector.shape_cast %get3A_315 : vector<1x16xf32> to vector<16xf32>
      %add3A_317 = arith.constant 3 : i32
      %add3A_318 = arith.addi %add3A_117, %add3A_317 : i32
      %swap3A_319 = arith.index_cast %add3A_318 : i32 to index
      %swap3A_320 = arith.constant 48 : index
      %swap3A_321 = tpu.vector_load %arg8[%swap3A_319, %swap3A_320] {strides = array<i32>} : memref<160x64xf32, #tpu.memory_space<vmem>>, vector<1x16xf32>,
      %swap3A_322 = vector.shape_cast %swap3A_321 : vector<1x16xf32> to vector<16xf32>
      %swap3A_323 = vector.shape_cast %get3A_316 : vector<16xf32> to vector<1x16xf32>
      tpu.vector_store %arg8[%swap3A_319, %swap3A_320], %swap3A_323 {strides = array<i32>} : memref<160x64xf32, #tpu.memory_space<vmem>>, vector<1x16xf32>,
    }
    %scan3A_19 = arith.constant 40 : i32
    %add3A_20 = arith.constant 0 : i32
    %add3A_21 = arith.addi %mul3A_2, %add3A_20 : i32
    %dma_start3A_22 = arith.constant 0 : i32
    %dma_start3A_23 = tpu.memref_slice %arg4[%add3A_21, %dma_start3A_22] : memref<819200x64xf32, #tpu.memory_space<hbm>> -> memref<160x64xf32, #tpu.memory_space<hbm>>
    %dma_start3A_24 = arith.constant 0 : i32
    %dma_start3A_25 = tpu.memref_slice %arg4[%add3A_21, %dma_start3A_24] : memref<819200x64xf32, #tpu.memory_space<hbm>> -> memref<160x64xf32, #tpu.memory_space<hbm>>
    tpu.enqueue_dma source(%arg8 : memref<160x64xf32, #tpu.memory_space<vmem>>) target(%dma_start3A_25 : memref<160x64xf32, #tpu.memory_space<hbm>>) target_semaphore(%arg12 : memref<!tpu.dma_semaphore, #tpu.memory_space<semaphore_mem>>)
    %dma_start3A_26 = arith.constant 320 : i32
    %dma_start3A_27 = tpu.memref_slice %arg5[%dma_start3A_26] : memref<25600xi32, #tpu.memory_space<vmem>> -> memref<160xi32, #tpu.memory_space<vmem>>
    %dma_start3A_28 = arith.constant 0 : i32
    %dma_start3A_29 = arith.constant 0 : i32
    %dma_start3A_30 = tpu.memref_slice %arg3[%dma_start3A_28, %dma_start3A_29] : memref<100000x128xf32, #tpu.memory_space<hbm>> -> memref<100000x128xf32, #tpu.memory_space<hbm>>
    tpu.enqueue_indirect_dma source(%dma_start3A_30 : memref<100000x128xf32, #tpu.memory_space<hbm>>) target(%arg6 : memref<160x128xf32, #tpu.memory_space<vmem>>) offsets(%dma_start3A_27 : memref<160xi32, #tpu.memory_space<vmem>>) semaphore(%arg10 : memref<!tpu.dma_semaphore, #tpu.memory_space<semaphore_mem>>)
    %dma_wait3A_31 = arith.constant 0 : i32
    %dma_wait3A_32 = tpu.memref_slice %arg5[%dma_wait3A_31] : memref<25600xi32, #tpu.memory_space<vmem>> -> memref<160xi32, #tpu.memory_space<vmem>>
    %dma_wait3A_33 = arith.constant 0 : i32
    %dma_wait3A_34 = arith.constant 0 : i32
    %dma_wait3A_35 = tpu.memref_slice %arg3[%dma_wait3A_33, %dma_wait3A_34] : memref<100000x128xf32, #tpu.memory_space<hbm>> -> memref<100000x128xf32, #tpu.memory_space<hbm>>
    tpu.wait_indirect_dma semaphore(%arg11 : memref<!tpu.dma_semaphore, #tpu.memory_space<semaphore_mem>>) src(%dma_wait3A_35 : memref<100000x128xf32, #tpu.memory_space<hbm>>) dst(%arg7 : memref<160x128xf32, #tpu.memory_space<vmem>>)
    %scan3A_36 = arith.constant 0 : i32
    %scan3A_37 = arith.constant 40 : i32
    %scan3A_38 = arith.addi %scan3A_36, %scan3A_37 : i32
    %scan3A_39 = arith.constant 1 : i32
    scf.for %scan3A_113 = %scan3A_36 to %scan3A_38 step %scan3A_39  : i32 {
      %mul3A_114 = arith.constant 4 : i32
      %mul3A_115 = arith.muli %scan3A_113, %mul3A_114 : i32
      %add3A_116 = arith.constant 0 : i32
      %add3A_117 = arith.addi %add3A_116, %mul3A_115 : i32
      %add3A_118 = arith.constant 0 : i32
      %add3A_119 = arith.addi %add3A_117, %add3A_118 : i32
      %get3A = arith.index_cast %add3A_119 : i32 to index
      %get3A_120 = arith.constant 0 : index
      %get3A_121 = tpu.vector_load %arg7[%get3A, %get3A_120] {strides = array<i32>} : memref<160x128xf32, #tpu.memory_space<vmem>>, vector<1x16xf32>,
      %get3A_122 = vector.shape_cast %get3A_121 : vector<1x16xf32> to vector<16xf32>
      %add3A_123 = arith.constant 0 : i32
      %add3A_124 = arith.addi %add3A_117, %add3A_123 : i32
      %swap3A = arith.index_cast %add3A_124 : i32 to index
      %swap3A_125 = arith.constant 0 : index
      %swap3A_126 = tpu.vector_load %arg9[%swap3A, %swap3A_125] {strides = array<i32>} : memref<160x64xf32, #tpu.memory_space<vmem>>, vector<1x16xf32>,
      %swap3A_127 = vector.shape_cast %swap3A_126 : vector<1x16xf32> to vector<16xf32>
      %swap3A_128 = vector.shape_cast %get3A_122 : vector<16xf32> to vector<1x16xf32>
      tpu.vector_store %arg9[%swap3A, %swap3A_125], %swap3A_128 {strides = array<i32>} : memref<160x64xf32, #tpu.memory_space<vmem>>, vector<1x16xf32>,
      %add3A_129 = arith.constant 0 : i32
      %add3A_130 = arith.addi %add3A_117, %add3A_129 : i32
      %get3A_131 = arith.index_cast %add3A_130 : i32 to index
      %get3A_132 = arith.constant 16 : index
      %get3A_133 = tpu.vector_load %arg7[%get3A_131, %get3A_132] {strides = array<i32>} : memref<160x128xf32, #tpu.memory_space<vmem>>, vector<1x16xf32>,
      %get3A_134 = vector.shape_cast %get3A_133 : vector<1x16xf32> to vector<16xf32>
      %add3A_135 = arith.constant 0 : i32
      %add3A_136 = arith.addi %add3A_117, %add3A_135 : i32
      %swap3A_137 = arith.index_cast %add3A_136 : i32 to index
      %swap3A_138 = arith.constant 16 : index
      %swap3A_139 = tpu.vector_load %arg9[%swap3A_137, %swap3A_138] {strides = array<i32>} : memref<160x64xf32, #tpu.memory_space<vmem>>, vector<1x16xf32>,
      %swap3A_140 = vector.shape_cast %swap3A_139 : vector<1x16xf32> to vector<16xf32>
      %swap3A_141 = vector.shape_cast %get3A_134 : vector<16xf32> to vector<1x16xf32>
      tpu.vector_store %arg9[%swap3A_137, %swap3A_138], %swap3A_141 {strides = array<i32>} : memref<160x64xf32, #tpu.memory_space<vmem>>, vector<1x16xf32>,
      %add3A_142 = arith.constant 0 : i32
      %add3A_143 = arith.addi %add3A_117, %add3A_142 : i32
      %get3A_144 = arith.index_cast %add3A_143 : i32 to index
      %get3A_145 = arith.constant 32 : index
      %get3A_146 = tpu.vector_load %arg7[%get3A_144, %get3A_145] {strides = array<i32>} : memref<160x128xf32, #tpu.memory_space<vmem>>, vector<1x16xf32>,
      %get3A_147 = vector.shape_cast %get3A_146 : vector<1x16xf32> to vector<16xf32>
      %add3A_148 = arith.constant 0 : i32
      %add3A_149 = arith.addi %add3A_117, %add3A_148 : i32
      %swap3A_150 = arith.index_cast %add3A_149 : i32 to index
      %swap3A_151 = arith.constant 32 : index
      %swap3A_152 = tpu.vector_load %arg9[%swap3A_150, %swap3A_151] {strides = array<i32>} : memref<160x64xf32, #tpu.memory_space<vmem>>, vector<1x16xf32>,
      %swap3A_153 = vector.shape_cast %swap3A_152 : vector<1x16xf32> to vector<16xf32>
      %swap3A_154 = vector.shape_cast %get3A_147 : vector<16xf32> to vector<1x16xf32>
      tpu.vector_store %arg9[%swap3A_150, %swap3A_151], %swap3A_154 {strides = array<i32>} : memref<160x64xf32, #tpu.memory_space<vmem>>, vector<1x16xf32>,
      %add3A_155 = arith.constant 0 : i32
      %add3A_156 = arith.addi %add3A_117, %add3A_155 : i32
      %get3A_157 = arith.index_cast %add3A_156 : i32 to index
      %get3A_158 = arith.constant 48 : index
      %get3A_159 = tpu.vector_load %arg7[%get3A_157, %get3A_158] {strides = array<i32>} : memref<160x128xf32, #tpu.memory_space<vmem>>, vector<1x16xf32>,
      %get3A_160 = vector.shape_cast %get3A_159 : vector<1x16xf32> to vector<16xf32>
      %add3A_161 = arith.constant 0 : i32
      %add3A_162 = arith.addi %add3A_117, %add3A_161 : i32
      %swap3A_163 = arith.index_cast %add3A_162 : i32 to index
      %swap3A_164 = arith.constant 48 : index
      %swap3A_165 = tpu.vector_load %arg9[%swap3A_163, %swap3A_164] {strides = array<i32>} : memref<160x64xf32, #tpu.memory_space<vmem>>, vector<1x16xf32>,
      %swap3A_166 = vector.shape_cast %swap3A_165 : vector<1x16xf32> to vector<16xf32>
      %swap3A_167 = vector.shape_cast %get3A_160 : vector<16xf32> to vector<1x16xf32>
      tpu.vector_store %arg9[%swap3A_163, %swap3A_164], %swap3A_167 {strides = array<i32>} : memref<160x64xf32, #tpu.memory_space<vmem>>, vector<1x16xf32>,
      %add3A_168 = arith.constant 1 : i32
      %add3A_169 = arith.addi %add3A_117, %add3A_168 : i32
      %get3A_170 = arith.index_cast %add3A_169 : i32 to index
      %get3A_171 = arith.constant 0 : index
      %get3A_172 = tpu.vector_load %arg7[%get3A_170, %get3A_171] {strides = array<i32>} : memref<160x128xf32, #tpu.memory_space<vmem>>, vector<1x16xf32>,
      %get3A_173 = vector.shape_cast %get3A_172 : vector<1x16xf32> to vector<16xf32>
      %add3A_174 = arith.constant 1 : i32
      %add3A_175 = arith.addi %add3A_117, %add3A_174 : i32
      %swap3A_176 = arith.index_cast %add3A_175 : i32 to index
      %swap3A_177 = arith.constant 0 : index
      %swap3A_178 = tpu.vector_load %arg9[%swap3A_176, %swap3A_177] {strides = array<i32>} : memref<160x64xf32, #tpu.memory_space<vmem>>, vector<1x16xf32>,
      %swap3A_179 = vector.shape_cast %swap3A_178 : vector<1x16xf32> to vector<16xf32>
      %swap3A_180 = vector.shape_cast %get3A_173 : vector<16xf32> to vector<1x16xf32>
      tpu.vector_store %arg9[%swap3A_176, %swap3A_177], %swap3A_180 {strides = array<i32>} : memref<160x64xf32, #tpu.memory_space<vmem>>, vector<1x16xf32>,
      %add3A_181 = arith.constant 1 : i32
      %add3A_182 = arith.addi %add3A_117, %add3A_181 : i32
      %get3A_183 = arith.index_cast %add3A_182 : i32 to index
      %get3A_184 = arith.constant 16 : index
      %get3A_185 = tpu.vector_load %arg7[%get3A_183, %get3A_184] {strides = array<i32>} : memref<160x128xf32, #tpu.memory_space<vmem>>, vector<1x16xf32>,
      %get3A_186 = vector.shape_cast %get3A_185 : vector<1x16xf32> to vector<16xf32>
      %add3A_187 = arith.constant 1 : i32
      %add3A_188 = arith.addi %add3A_117, %add3A_187 : i32
      %swap3A_189 = arith.index_cast %add3A_188 : i32 to index
      %swap3A_190 = arith.constant 16 : index
      %swap3A_191 = tpu.vector_load %arg9[%swap3A_189, %swap3A_190] {strides = array<i32>} : memref<160x64xf32, #tpu.memory_space<vmem>>, vector<1x16xf32>,
      %swap3A_192 = vector.shape_cast %swap3A_191 : vector<1x16xf32> to vector<16xf32>
      %swap3A_193 = vector.shape_cast %get3A_186 : vector<16xf32> to vector<1x16xf32>
      tpu.vector_store %arg9[%swap3A_189, %swap3A_190], %swap3A_193 {strides = array<i32>} : memref<160x64xf32, #tpu.memory_space<vmem>>, vector<1x16xf32>,
      %add3A_194 = arith.constant 1 : i32
      %add3A_195 = arith.addi %add3A_117, %add3A_194 : i32
      %get3A_196 = arith.index_cast %add3A_195 : i32 to index
      %get3A_197 = arith.constant 32 : index
      %get3A_198 = tpu.vector_load %arg7[%get3A_196, %get3A_197] {strides = array<i32>} : memref<160x128xf32, #tpu.memory_space<vmem>>, vector<1x16xf32>,
      %get3A_199 = vector.shape_cast %get3A_198 : vector<1x16xf32> to vector<16xf32>
      %add3A_200 = arith.constant 1 : i32
      %add3A_201 = arith.addi %add3A_117, %add3A_200 : i32
      %swap3A_202 = arith.index_cast %add3A_201 : i32 to index
      %swap3A_203 = arith.constant 32 : index
      %swap3A_204 = tpu.vector_load %arg9[%swap3A_202, %swap3A_203] {strides = array<i32>} : memref<160x64xf32, #tpu.memory_space<vmem>>, vector<1x16xf32>,
      %swap3A_205 = vector.shape_cast %swap3A_204 : vector<1x16xf32> to vector<16xf32>
      %swap3A_206 = vector.shape_cast %get3A_199 : vector<16xf32> to vector<1x16xf32>
      tpu.vector_store %arg9[%swap3A_202, %swap3A_203], %swap3A_206 {strides = array<i32>} : memref<160x64xf32, #tpu.memory_space<vmem>>, vector<1x16xf32>,
      %add3A_207 = arith.constant 1 : i32
      %add3A_208 = arith.addi %add3A_117, %add3A_207 : i32
      %get3A_209 = arith.index_cast %add3A_208 : i32 to index
      %get3A_210 = arith.constant 48 : index
      %get3A_211 = tpu.vector_load %arg7[%get3A_209, %get3A_210] {strides = array<i32>} : memref<160x128xf32, #tpu.memory_space<vmem>>, vector<1x16xf32>,
      %get3A_212 = vector.shape_cast %get3A_211 : vector<1x16xf32> to vector<16xf32>
      %add3A_213 = arith.constant 1 : i32
      %add3A_214 = arith.addi %add3A_117, %add3A_213 : i32
      %swap3A_215 = arith.index_cast %add3A_214 : i32 to index
      %swap3A_216 = arith.constant 48 : index
      %swap3A_217 = tpu.vector_load %arg9[%swap3A_215, %swap3A_216] {strides = array<i32>} : memref<160x64xf32, #tpu.memory_space<vmem>>, vector<1x16xf32>,
      %swap3A_218 = vector.shape_cast %swap3A_217 : vector<1x16xf32> to vector<16xf32>
      %swap3A_219 = vector.shape_cast %get3A_212 : vector<16xf32> to vector<1x16xf32>
      tpu.vector_store %arg9[%swap3A_215, %swap3A_216], %swap3A_219 {strides = array<i32>} : memref<160x64xf32, #tpu.memory_space<vmem>>, vector<1x16xf32>,
      %add3A_220 = arith.constant 2 : i32
      %add3A_221 = arith.addi %add3A_117, %add3A_220 : i32
      %get3A_222 = arith.index_cast %add3A_221 : i32 to index
      %get3A_223 = arith.constant 0 : index
      %get3A_224 = tpu.vector_load %arg7[%get3A_222, %get3A_223] {strides = array<i32>} : memref<160x128xf32, #tpu.memory_space<vmem>>, vector<1x16xf32>,
      %get3A_225 = vector.shape_cast %get3A_224 : vector<1x16xf32> to vector<16xf32>
      %add3A_226 = arith.constant 2 : i32
      %add3A_227 = arith.addi %add3A_117, %add3A_226 : i32
      %swap3A_228 = arith.index_cast %add3A_227 : i32 to index
      %swap3A_229 = arith.constant 0 : index
      %swap3A_230 = tpu.vector_load %arg9[%swap3A_228, %swap3A_229] {strides = array<i32>} : memref<160x64xf32, #tpu.memory_space<vmem>>, vector<1x16xf32>,
      %swap3A_231 = vector.shape_cast %swap3A_230 : vector<1x16xf32> to vector<16xf32>
      %swap3A_232 = vector.shape_cast %get3A_225 : vector<16xf32> to vector<1x16xf32>
      tpu.vector_store %arg9[%swap3A_228, %swap3A_229], %swap3A_232 {strides = array<i32>} : memref<160x64xf32, #tpu.memory_space<vmem>>, vector<1x16xf32>,
      %add3A_233 = arith.constant 2 : i32
      %add3A_234 = arith.addi %add3A_117, %add3A_233 : i32
      %get3A_235 = arith.index_cast %add3A_234 : i32 to index
      %get3A_236 = arith.constant 16 : index
      %get3A_237 = tpu.vector_load %arg7[%get3A_235, %get3A_236] {strides = array<i32>} : memref<160x128xf32, #tpu.memory_space<vmem>>, vector<1x16xf32>,
      %get3A_238 = vector.shape_cast %get3A_237 : vector<1x16xf32> to vector<16xf32>
      %add3A_239 = arith.constant 2 : i32
      %add3A_240 = arith.addi %add3A_117, %add3A_239 : i32
      %swap3A_241 = arith.index_cast %add3A_240 : i32 to index
      %swap3A_242 = arith.constant 16 : index
      %swap3A_243 = tpu.vector_load %arg9[%swap3A_241, %swap3A_242] {strides = array<i32>} : memref<160x64xf32, #tpu.memory_space<vmem>>, vector<1x16xf32>,
      %swap3A_244 = vector.shape_cast %swap3A_243 : vector<1x16xf32> to vector<16xf32>
      %swap3A_245 = vector.shape_cast %get3A_238 : vector<16xf32> to vector<1x16xf32>
      tpu.vector_store %arg9[%swap3A_241, %swap3A_242], %swap3A_245 {strides = array<i32>} : memref<160x64xf32, #tpu.memory_space<vmem>>, vector<1x16xf32>,
      %add3A_246 = arith.constant 2 : i32
      %add3A_247 = arith.addi %add3A_117, %add3A_246 : i32
      %get3A_248 = arith.index_cast %add3A_247 : i32 to index
      %get3A_249 = arith.constant 32 : index
      %get3A_250 = tpu.vector_load %arg7[%get3A_248, %get3A_249] {strides = array<i32>} : memref<160x128xf32, #tpu.memory_space<vmem>>, vector<1x16xf32>,
      %get3A_251 = vector.shape_cast %get3A_250 : vector<1x16xf32> to vector<16xf32>
      %add3A_252 = arith.constant 2 : i32
      %add3A_253 = arith.addi %add3A_117, %add3A_252 : i32
      %swap3A_254 = arith.index_cast %add3A_253 : i32 to index
      %swap3A_255 = arith.constant 32 : index
      %swap3A_256 = tpu.vector_load %arg9[%swap3A_254, %swap3A_255] {strides = array<i32>} : memref<160x64xf32, #tpu.memory_space<vmem>>, vector<1x16xf32>,
      %swap3A_257 = vector.shape_cast %swap3A_256 : vector<1x16xf32> to vector<16xf32>
      %swap3A_258 = vector.shape_cast %get3A_251 : vector<16xf32> to vector<1x16xf32>
      tpu.vector_store %arg9[%swap3A_254, %swap3A_255], %swap3A_258 {strides = array<i32>} : memref<160x64xf32, #tpu.memory_space<vmem>>, vector<1x16xf32>,
      %add3A_259 = arith.constant 2 : i32
      %add3A_260 = arith.addi %add3A_117, %add3A_259 : i32
      %get3A_261 = arith.index_cast %add3A_260 : i32 to index
      %get3A_262 = arith.constant 48 : index
      %get3A_263 = tpu.vector_load %arg7[%get3A_261, %get3A_262] {strides = array<i32>} : memref<160x128xf32, #tpu.memory_space<vmem>>, vector<1x16xf32>,
      %get3A_264 = vector.shape_cast %get3A_263 : vector<1x16xf32> to vector<16xf32>
      %add3A_265 = arith.constant 2 : i32
      %add3A_266 = arith.addi %add3A_117, %add3A_265 : i32
      %swap3A_267 = arith.index_cast %add3A_266 : i32 to index
      %swap3A_268 = arith.constant 48 : index
      %swap3A_269 = tpu.vector_load %arg9[%swap3A_267, %swap3A_268] {strides = array<i32>} : memref<160x64xf32, #tpu.memory_space<vmem>>, vector<1x16xf32>,
      %swap3A_270 = vector.shape_cast %swap3A_269 : vector<1x16xf32> to vector<16xf32>
      %swap3A_271 = vector.shape_cast %get3A_264 : vector<16xf32> to vector<1x16xf32>
      tpu.vector_store %arg9[%swap3A_267, %swap3A_268], %swap3A_271 {strides = array<i32>} : memref<160x64xf32, #tpu.memory_space<vmem>>, vector<1x16xf32>,
      %add3A_272 = arith.constant 3 : i32
      %add3A_273 = arith.addi %add3A_117, %add3A_272 : i32
      %get3A_274 = arith.index_cast %add3A_273 : i32 to index
      %get3A_275 = arith.constant 0 : index
      %get3A_276 = tpu.vector_load %arg7[%get3A_274, %get3A_275] {strides = array<i32>} : memref<160x128xf32, #tpu.memory_space<vmem>>, vector<1x16xf32>,
      %get3A_277 = vector.shape_cast %get3A_276 : vector<1x16xf32> to vector<16xf32>
      %add3A_278 = arith.constant 3 : i32
      %add3A_279 = arith.addi %add3A_117, %add3A_278 : i32
      %swap3A_280 = arith.index_cast %add3A_279 : i32 to index
      %swap3A_281 = arith.constant 0 : index
      %swap3A_282 = tpu.vector_load %arg9[%swap3A_280, %swap3A_281] {strides = array<i32>} : memref<160x64xf32, #tpu.memory_space<vmem>>, vector<1x16xf32>,
      %swap3A_283 = vector.shape_cast %swap3A_282 : vector<1x16xf32> to vector<16xf32>
      %swap3A_284 = vector.shape_cast %get3A_277 : vector<16xf32> to vector<1x16xf32>
      tpu.vector_store %arg9[%swap3A_280, %swap3A_281], %swap3A_284 {strides = array<i32>} : memref<160x64xf32, #tpu.memory_space<vmem>>, vector<1x16xf32>,
      %add3A_285 = arith.constant 3 : i32
      %add3A_286 = arith.addi %add3A_117, %add3A_285 : i32
      %get3A_287 = arith.index_cast %add3A_286 : i32 to index
      %get3A_288 = arith.constant 16 : index
      %get3A_289 = tpu.vector_load %arg7[%get3A_287, %get3A_288] {strides = array<i32>} : memref<160x128xf32, #tpu.memory_space<vmem>>, vector<1x16xf32>,
      %get3A_290 = vector.shape_cast %get3A_289 : vector<1x16xf32> to vector<16xf32>
      %add3A_291 = arith.constant 3 : i32
      %add3A_292 = arith.addi %add3A_117, %add3A_291 : i32
      %swap3A_293 = arith.index_cast %add3A_292 : i32 to index
      %swap3A_294 = arith.constant 16 : index
      %swap3A_295 = tpu.vector_load %arg9[%swap3A_293, %swap3A_294] {strides = array<i32>} : memref<160x64xf32, #tpu.memory_space<vmem>>, vector<1x16xf32>,
      %swap3A_296 = vector.shape_cast %swap3A_295 : vector<1x16xf32> to vector<16xf32>
      %swap3A_297 = vector.shape_cast %get3A_290 : vector<16xf32> to vector<1x16xf32>
      tpu.vector_store %arg9[%swap3A_293, %swap3A_294], %swap3A_297 {strides = array<i32>} : memref<160x64xf32, #tpu.memory_space<vmem>>, vector<1x16xf32>,
      %add3A_298 = arith.constant 3 : i32
      %add3A_299 = arith.addi %add3A_117, %add3A_298 : i32
      %get3A_300 = arith.index_cast %add3A_299 : i32 to index
      %get3A_301 = arith.constant 32 : index
      %get3A_302 = tpu.vector_load %arg7[%get3A_300, %get3A_301] {strides = array<i32>} : memref<160x128xf32, #tpu.memory_space<vmem>>, vector<1x16xf32>,
      %get3A_303 = vector.shape_cast %get3A_302 : vector<1x16xf32> to vector<16xf32>
      %add3A_304 = arith.constant 3 : i32
      %add3A_305 = arith.addi %add3A_117, %add3A_304 : i32
      %swap3A_306 = arith.index_cast %add3A_305 : i32 to index
      %swap3A_307 = arith.constant 32 : index
      %swap3A_308 = tpu.vector_load %arg9[%swap3A_306, %swap3A_307] {strides = array<i32>} : memref<160x64xf32, #tpu.memory_space<vmem>>, vector<1x16xf32>,
      %swap3A_309 = vector.shape_cast %swap3A_308 : vector<1x16xf32> to vector<16xf32>
      %swap3A_310 = vector.shape_cast %get3A_303 : vector<16xf32> to vector<1x16xf32>
      tpu.vector_store %arg9[%swap3A_306, %swap3A_307], %swap3A_310 {strides = array<i32>} : memref<160x64xf32, #tpu.memory_space<vmem>>, vector<1x16xf32>,
      %add3A_311 = arith.constant 3 : i32
      %add3A_312 = arith.addi %add3A_117, %add3A_311 : i32
      %get3A_313 = arith.index_cast %add3A_312 : i32 to index
      %get3A_314 = arith.constant 48 : index
      %get3A_315 = tpu.vector_load %arg7[%get3A_313, %get3A_314] {strides = array<i32>} : memref<160x128xf32, #tpu.memory_space<vmem>>, vector<1x16xf32>,
      %get3A_316 = vector.shape_cast %get3A_315 : vector<1x16xf32> to vector<16xf32>
      %add3A_317 = arith.constant 3 : i32
      %add3A_318 = arith.addi %add3A_117, %add3A_317 : i32
      %swap3A_319 = arith.index_cast %add3A_318 : i32 to index
      %swap3A_320 = arith.constant 48 : index
      %swap3A_321 = tpu.vector_load %arg9[%swap3A_319, %swap3A_320] {strides = array<i32>} : memref<160x64xf32, #tpu.memory_space<vmem>>, vector<1x16xf32>,
      %swap3A_322 = vector.shape_cast %swap3A_321 : vector<1x16xf32> to vector<16xf32>
      %swap3A_323 = vector.shape_cast %get3A_316 : vector<16xf32> to vector<1x16xf32>
      tpu.vector_store %arg9[%swap3A_319, %swap3A_320], %swap3A_323 {strides = array<i32>} : memref<160x64xf32, #tpu.memory_space<vmem>>, vector<1x16xf32>,
    }
    %scan3A_40 = arith.constant 40 : i32
    %add3A_41 = arith.constant 160 : i32
    %add3A_42 = arith.addi %mul3A_2, %add3A_41 : i32
    %dma_start3A_43 = arith.constant 0 : i32
    %dma_start3A_44 = tpu.memref_slice %arg4[%add3A_42, %dma_start3A_43] : memref<819200x64xf32, #tpu.memory_space<hbm>> -> memref<160x64xf32, #tpu.memory_space<hbm>>
    %dma_start3A_45 = arith.constant 0 : i32
    %dma_start3A_46 = tpu.memref_slice %arg4[%add3A_42, %dma_start3A_45] : memref<819200x64xf32, #tpu.memory_space<hbm>> -> memref<160x64xf32, #tpu.memory_space<hbm>>
    tpu.enqueue_dma source(%arg9 : memref<160x64xf32, #tpu.memory_space<vmem>>) target(%dma_start3A_46 : memref<160x64xf32, #tpu.memory_space<hbm>>) target_semaphore(%arg13 : memref<!tpu.dma_semaphore, #tpu.memory_space<semaphore_mem>>)
    %dma_start3A_47 = arith.constant 480 : i32
    %dma_start3A_48 = tpu.memref_slice %arg5[%dma_start3A_47] : memref<25600xi32, #tpu.memory_space<vmem>> -> memref<160xi32, #tpu.memory_space<vmem>>
    %dma_start3A_49 = arith.constant 0 : i32
    %dma_start3A_50 = arith.constant 0 : i32
    %dma_start3A_51 = tpu.memref_slice %arg3[%dma_start3A_49, %dma_start3A_50] : memref<100000x128xf32, #tpu.memory_space<hbm>> -> memref<100000x128xf32, #tpu.memory_space<hbm>>
    tpu.enqueue_indirect_dma source(%dma_start3A_51 : memref<100000x128xf32, #tpu.memory_space<hbm>>) target(%arg7 : memref<160x128xf32, #tpu.memory_space<vmem>>) offsets(%dma_start3A_48 : memref<160xi32, #tpu.memory_space<vmem>>) semaphore(%arg11 : memref<!tpu.dma_semaphore, #tpu.memory_space<semaphore_mem>>)
    %scan3A_52 = arith.constant 0 : i32
    %scan3A_53 = arith.constant 78 : i32
    %scan3A_54 = arith.addi %scan3A_52, %scan3A_53 : i32
    %scan3A_55 = arith.constant 1 : i32
    scf.for %scan3A_113 = %scan3A_52 to %scan3A_54 step %scan3A_55  : i32 {
      %mul3A_114 = arith.constant 2 : i32
      %mul3A_115 = arith.muli %scan3A_113, %mul3A_114 : i32
      %add3A_116 = arith.constant 2 : i32
      %add3A_117 = arith.addi %add3A_116, %mul3A_115 : i32
      %add3A_118 = arith.constant 0 : i32
      %add3A_119 = arith.addi %add3A_117, %add3A_118 : i32
      %dma_wait3A_120 = arith.constant 0 : i32
      %dma_wait3A_121 = tpu.memref_slice %arg5[%dma_wait3A_120] : memref<25600xi32, #tpu.memory_space<vmem>> -> memref<160xi32, #tpu.memory_space<vmem>>
      %dma_wait3A_122 = arith.constant 0 : i32
      %dma_wait3A_123 = arith.constant 0 : i32
      %dma_wait3A_124 = tpu.memref_slice %arg3[%dma_wait3A_122, %dma_wait3A_123] : memref<100000x128xf32, #tpu.memory_space<hbm>> -> memref<100000x128xf32, #tpu.memory_space<hbm>>
      tpu.wait_indirect_dma semaphore(%arg10 : memref<!tpu.dma_semaphore, #tpu.memory_space<semaphore_mem>>) src(%dma_wait3A_124 : memref<100000x128xf32, #tpu.memory_space<hbm>>) dst(%arg6 : memref<160x128xf32, #tpu.memory_space<vmem>>)
      %sub3A = arith.constant 2 : i32
      %sub3A_125 = arith.subi %add3A_119, %sub3A : i32
      %mul3A_126 = arith.constant 160 : i32
      %mul3A_127 = arith.muli %sub3A_125, %mul3A_126 : i32
      %add3A_128 = arith.addi %mul3A_2, %mul3A_127 : i32
      %dma_wait3A_129 = arith.constant 0 : i32
      %dma_wait3A_130 = tpu.memref_slice %arg4[%add3A_128, %dma_wait3A_129] : memref<819200x64xf32, #tpu.memory_space<hbm>> -> memref<160x64xf32, #tpu.memory_space<hbm>>
      %dma_wait3A_131 = arith.constant 0 : i32
      %dma_wait3A_132 = tpu.memref_slice %arg4[%add3A_128, %dma_wait3A_131] : memref<819200x64xf32, #tpu.memory_space<hbm>> -> memref<160x64xf32, #tpu.memory_space<hbm>>
      tpu.wait_dma2 semaphore(%arg12 : memref<!tpu.dma_semaphore, #tpu.memory_space<semaphore_mem>>) src(%arg8 : memref<160x64xf32, #tpu.memory_space<vmem>>) dst(%dma_wait3A_132 : memref<160x64xf32, #tpu.memory_space<hbm>>)
      %scan3A_133 = arith.constant 0 : i32
      %scan3A_134 = arith.constant 40 : i32
      %scan3A_135 = arith.addi %scan3A_133, %scan3A_134 : i32
      %scan3A_136 = arith.constant 1 : i32
      scf.for %scan3A_189 = %scan3A_133 to %scan3A_135 step %scan3A_136  : i32 {
        %mul3A_190 = arith.constant 4 : i32
        %mul3A_191 = arith.muli %scan3A_189, %mul3A_190 : i32
        %add3A_192 = arith.constant 0 : i32
        %add3A_193 = arith.addi %add3A_192, %mul3A_191 : i32
        %add3A_194 = arith.constant 0 : i32
        %add3A_195 = arith.addi %add3A_193, %add3A_194 : i32
        %get3A = arith.index_cast %add3A_195 : i32 to index
        %get3A_196 = arith.constant 0 : index
        %get3A_197 = tpu.vector_load %arg6[%get3A, %get3A_196] {strides = array<i32>} : memref<160x128xf32, #tpu.memory_space<vmem>>, vector<1x16xf32>,
        %get3A_198 = vector.shape_cast %get3A_197 : vector<1x16xf32> to vector<16xf32>
        %add3A_199 = arith.constant 0 : i32
        %add3A_200 = arith.addi %add3A_193, %add3A_199 : i32
        %swap3A = arith.index_cast %add3A_200 : i32 to index
        %swap3A_201 = arith.constant 0 : index
        %swap3A_202 = tpu.vector_load %arg8[%swap3A, %swap3A_201] {strides = array<i32>} : memref<160x64xf32, #tpu.memory_space<vmem>>, vector<1x16xf32>,
        %swap3A_203 = vector.shape_cast %swap3A_202 : vector<1x16xf32> to vector<16xf32>
        %swap3A_204 = vector.shape_cast %get3A_198 : vector<16xf32> to vector<1x16xf32>
        tpu.vector_store %arg8[%swap3A, %swap3A_201], %swap3A_204 {strides = array<i32>} : memref<160x64xf32, #tpu.memory_space<vmem>>, vector<1x16xf32>,
        %add3A_205 = arith.constant 0 : i32
        %add3A_206 = arith.addi %add3A_193, %add3A_205 : i32
        %get3A_207 = arith.index_cast %add3A_206 : i32 to index
        %get3A_208 = arith.constant 16 : index
        %get3A_209 = tpu.vector_load %arg6[%get3A_207, %get3A_208] {strides = array<i32>} : memref<160x128xf32, #tpu.memory_space<vmem>>, vector<1x16xf32>,
        %get3A_210 = vector.shape_cast %get3A_209 : vector<1x16xf32> to vector<16xf32>
        %add3A_211 = arith.constant 0 : i32
        %add3A_212 = arith.addi %add3A_193, %add3A_211 : i32
        %swap3A_213 = arith.index_cast %add3A_212 : i32 to index
        %swap3A_214 = arith.constant 16 : index
        %swap3A_215 = tpu.vector_load %arg8[%swap3A_213, %swap3A_214] {strides = array<i32>} : memref<160x64xf32, #tpu.memory_space<vmem>>, vector<1x16xf32>,
        %swap3A_216 = vector.shape_cast %swap3A_215 : vector<1x16xf32> to vector<16xf32>
        %swap3A_217 = vector.shape_cast %get3A_210 : vector<16xf32> to vector<1x16xf32>
        tpu.vector_store %arg8[%swap3A_213, %swap3A_214], %swap3A_217 {strides = array<i32>} : memref<160x64xf32, #tpu.memory_space<vmem>>, vector<1x16xf32>,
        %add3A_218 = arith.constant 0 : i32
        %add3A_219 = arith.addi %add3A_193, %add3A_218 : i32
        %get3A_220 = arith.index_cast %add3A_219 : i32 to index
        %get3A_221 = arith.constant 32 : index
        %get3A_222 = tpu.vector_load %arg6[%get3A_220, %get3A_221] {strides = array<i32>} : memref<160x128xf32, #tpu.memory_space<vmem>>, vector<1x16xf32>,
        %get3A_223 = vector.shape_cast %get3A_222 : vector<1x16xf32> to vector<16xf32>
        %add3A_224 = arith.constant 0 : i32
        %add3A_225 = arith.addi %add3A_193, %add3A_224 : i32
        %swap3A_226 = arith.index_cast %add3A_225 : i32 to index
        %swap3A_227 = arith.constant 32 : index
        %swap3A_228 = tpu.vector_load %arg8[%swap3A_226, %swap3A_227] {strides = array<i32>} : memref<160x64xf32, #tpu.memory_space<vmem>>, vector<1x16xf32>,
        %swap3A_229 = vector.shape_cast %swap3A_228 : vector<1x16xf32> to vector<16xf32>
        %swap3A_230 = vector.shape_cast %get3A_223 : vector<16xf32> to vector<1x16xf32>
        tpu.vector_store %arg8[%swap3A_226, %swap3A_227], %swap3A_230 {strides = array<i32>} : memref<160x64xf32, #tpu.memory_space<vmem>>, vector<1x16xf32>,
        %add3A_231 = arith.constant 0 : i32
        %add3A_232 = arith.addi %add3A_193, %add3A_231 : i32
        %get3A_233 = arith.index_cast %add3A_232 : i32 to index
        %get3A_234 = arith.constant 48 : index
        %get3A_235 = tpu.vector_load %arg6[%get3A_233, %get3A_234] {strides = array<i32>} : memref<160x128xf32, #tpu.memory_space<vmem>>, vector<1x16xf32>,
        %get3A_236 = vector.shape_cast %get3A_235 : vector<1x16xf32> to vector<16xf32>
        %add3A_237 = arith.constant 0 : i32
        %add3A_238 = arith.addi %add3A_193, %add3A_237 : i32
        %swap3A_239 = arith.index_cast %add3A_238 : i32 to index
        %swap3A_240 = arith.constant 48 : index
        %swap3A_241 = tpu.vector_load %arg8[%swap3A_239, %swap3A_240] {strides = array<i32>} : memref<160x64xf32, #tpu.memory_space<vmem>>, vector<1x16xf32>,
        %swap3A_242 = vector.shape_cast %swap3A_241 : vector<1x16xf32> to vector<16xf32>
        %swap3A_243 = vector.shape_cast %get3A_236 : vector<16xf32> to vector<1x16xf32>
        tpu.vector_store %arg8[%swap3A_239, %swap3A_240], %swap3A_243 {strides = array<i32>} : memref<160x64xf32, #tpu.memory_space<vmem>>, vector<1x16xf32>,
        %add3A_244 = arith.constant 1 : i32
        %add3A_245 = arith.addi %add3A_193, %add3A_244 : i32
        %get3A_246 = arith.index_cast %add3A_245 : i32 to index
        %get3A_247 = arith.constant 0 : index
        %get3A_248 = tpu.vector_load %arg6[%get3A_246, %get3A_247] {strides = array<i32>} : memref<160x128xf32, #tpu.memory_space<vmem>>, vector<1x16xf32>,
        %get3A_249 = vector.shape_cast %get3A_248 : vector<1x16xf32> to vector<16xf32>
        %add3A_250 = arith.constant 1 : i32
        %add3A_251 = arith.addi %add3A_193, %add3A_250 : i32
        %swap3A_252 = arith.index_cast %add3A_251 : i32 to index
        %swap3A_253 = arith.constant 0 : index
        %swap3A_254 = tpu.vector_load %arg8[%swap3A_252, %swap3A_253] {strides = array<i32>} : memref<160x64xf32, #tpu.memory_space<vmem>>, vector<1x16xf32>,
        %swap3A_255 = vector.shape_cast %swap3A_254 : vector<1x16xf32> to vector<16xf32>
        %swap3A_256 = vector.shape_cast %get3A_249 : vector<16xf32> to vector<1x16xf32>
        tpu.vector_store %arg8[%swap3A_252, %swap3A_253], %swap3A_256 {strides = array<i32>} : memref<160x64xf32, #tpu.memory_space<vmem>>, vector<1x16xf32>,
        %add3A_257 = arith.constant 1 : i32
        %add3A_258 = arith.addi %add3A_193, %add3A_257 : i32
        %get3A_259 = arith.index_cast %add3A_258 : i32 to index
        %get3A_260 = arith.constant 16 : index
        %get3A_261 = tpu.vector_load %arg6[%get3A_259, %get3A_260] {strides = array<i32>} : memref<160x128xf32, #tpu.memory_space<vmem>>, vector<1x16xf32>,
        %get3A_262 = vector.shape_cast %get3A_261 : vector<1x16xf32> to vector<16xf32>
        %add3A_263 = arith.constant 1 : i32
        %add3A_264 = arith.addi %add3A_193, %add3A_263 : i32
        %swap3A_265 = arith.index_cast %add3A_264 : i32 to index
        %swap3A_266 = arith.constant 16 : index
        %swap3A_267 = tpu.vector_load %arg8[%swap3A_265, %swap3A_266] {strides = array<i32>} : memref<160x64xf32, #tpu.memory_space<vmem>>, vector<1x16xf32>,
        %swap3A_268 = vector.shape_cast %swap3A_267 : vector<1x16xf32> to vector<16xf32>
        %swap3A_269 = vector.shape_cast %get3A_262 : vector<16xf32> to vector<1x16xf32>
        tpu.vector_store %arg8[%swap3A_265, %swap3A_266], %swap3A_269 {strides = array<i32>} : memref<160x64xf32, #tpu.memory_space<vmem>>, vector<1x16xf32>,
        %add3A_270 = arith.constant 1 : i32
        %add3A_271 = arith.addi %add3A_193, %add3A_270 : i32
        %get3A_272 = arith.index_cast %add3A_271 : i32 to index
        %get3A_273 = arith.constant 32 : index
        %get3A_274 = tpu.vector_load %arg6[%get3A_272, %get3A_273] {strides = array<i32>} : memref<160x128xf32, #tpu.memory_space<vmem>>, vector<1x16xf32>,
        %get3A_275 = vector.shape_cast %get3A_274 : vector<1x16xf32> to vector<16xf32>
        %add3A_276 = arith.constant 1 : i32
        %add3A_277 = arith.addi %add3A_193, %add3A_276 : i32
        %swap3A_278 = arith.index_cast %add3A_277 : i32 to index
        %swap3A_279 = arith.constant 32 : index
        %swap3A_280 = tpu.vector_load %arg8[%swap3A_278, %swap3A_279] {strides = array<i32>} : memref<160x64xf32, #tpu.memory_space<vmem>>, vector<1x16xf32>,
        %swap3A_281 = vector.shape_cast %swap3A_280 : vector<1x16xf32> to vector<16xf32>
        %swap3A_282 = vector.shape_cast %get3A_275 : vector<16xf32> to vector<1x16xf32>
        tpu.vector_store %arg8[%swap3A_278, %swap3A_279], %swap3A_282 {strides = array<i32>} : memref<160x64xf32, #tpu.memory_space<vmem>>, vector<1x16xf32>,
        %add3A_283 = arith.constant 1 : i32
        %add3A_284 = arith.addi %add3A_193, %add3A_283 : i32
        %get3A_285 = arith.index_cast %add3A_284 : i32 to index
        %get3A_286 = arith.constant 48 : index
        %get3A_287 = tpu.vector_load %arg6[%get3A_285, %get3A_286] {strides = array<i32>} : memref<160x128xf32, #tpu.memory_space<vmem>>, vector<1x16xf32>,
        %get3A_288 = vector.shape_cast %get3A_287 : vector<1x16xf32> to vector<16xf32>
        %add3A_289 = arith.constant 1 : i32
        %add3A_290 = arith.addi %add3A_193, %add3A_289 : i32
        %swap3A_291 = arith.index_cast %add3A_290 : i32 to index
        %swap3A_292 = arith.constant 48 : index
        %swap3A_293 = tpu.vector_load %arg8[%swap3A_291, %swap3A_292] {strides = array<i32>} : memref<160x64xf32, #tpu.memory_space<vmem>>, vector<1x16xf32>,
        %swap3A_294 = vector.shape_cast %swap3A_293 : vector<1x16xf32> to vector<16xf32>
        %swap3A_295 = vector.shape_cast %get3A_288 : vector<16xf32> to vector<1x16xf32>
        tpu.vector_store %arg8[%swap3A_291, %swap3A_292], %swap3A_295 {strides = array<i32>} : memref<160x64xf32, #tpu.memory_space<vmem>>, vector<1x16xf32>,
        %add3A_296 = arith.constant 2 : i32
        %add3A_297 = arith.addi %add3A_193, %add3A_296 : i32
        %get3A_298 = arith.index_cast %add3A_297 : i32 to index
        %get3A_299 = arith.constant 0 : index
        %get3A_300 = tpu.vector_load %arg6[%get3A_298, %get3A_299] {strides = array<i32>} : memref<160x128xf32, #tpu.memory_space<vmem>>, vector<1x16xf32>,
        %get3A_301 = vector.shape_cast %get3A_300 : vector<1x16xf32> to vector<16xf32>
        %add3A_302 = arith.constant 2 : i32
        %add3A_303 = arith.addi %add3A_193, %add3A_302 : i32
        %swap3A_304 = arith.index_cast %add3A_303 : i32 to index
        %swap3A_305 = arith.constant 0 : index
        %swap3A_306 = tpu.vector_load %arg8[%swap3A_304, %swap3A_305] {strides = array<i32>} : memref<160x64xf32, #tpu.memory_space<vmem>>, vector<1x16xf32>,
        %swap3A_307 = vector.shape_cast %swap3A_306 : vector<1x16xf32> to vector<16xf32>
        %swap3A_308 = vector.shape_cast %get3A_301 : vector<16xf32> to vector<1x16xf32>
        tpu.vector_store %arg8[%swap3A_304, %swap3A_305], %swap3A_308 {strides = array<i32>} : memref<160x64xf32, #tpu.memory_space<vmem>>, vector<1x16xf32>,
        %add3A_309 = arith.constant 2 : i32
        %add3A_310 = arith.addi %add3A_193, %add3A_309 : i32
        %get3A_311 = arith.index_cast %add3A_310 : i32 to index
        %get3A_312 = arith.constant 16 : index
        %get3A_313 = tpu.vector_load %arg6[%get3A_311, %get3A_312] {strides = array<i32>} : memref<160x128xf32, #tpu.memory_space<vmem>>, vector<1x16xf32>,
        %get3A_314 = vector.shape_cast %get3A_313 : vector<1x16xf32> to vector<16xf32>
        %add3A_315 = arith.constant 2 : i32
        %add3A_316 = arith.addi %add3A_193, %add3A_315 : i32
        %swap3A_317 = arith.index_cast %add3A_316 : i32 to index
        %swap3A_318 = arith.constant 16 : index
        %swap3A_319 = tpu.vector_load %arg8[%swap3A_317, %swap3A_318] {strides = array<i32>} : memref<160x64xf32, #tpu.memory_space<vmem>>, vector<1x16xf32>,
        %swap3A_320 = vector.shape_cast %swap3A_319 : vector<1x16xf32> to vector<16xf32>
        %swap3A_321 = vector.shape_cast %get3A_314 : vector<16xf32> to vector<1x16xf32>
        tpu.vector_store %arg8[%swap3A_317, %swap3A_318], %swap3A_321 {strides = array<i32>} : memref<160x64xf32, #tpu.memory_space<vmem>>, vector<1x16xf32>,
        %add3A_322 = arith.constant 2 : i32
        %add3A_323 = arith.addi %add3A_193, %add3A_322 : i32
        %get3A_324 = arith.index_cast %add3A_323 : i32 to index
        %get3A_325 = arith.constant 32 : index
        %get3A_326 = tpu.vector_load %arg6[%get3A_324, %get3A_325] {strides = array<i32>} : memref<160x128xf32, #tpu.memory_space<vmem>>, vector<1x16xf32>,
        %get3A_327 = vector.shape_cast %get3A_326 : vector<1x16xf32> to vector<16xf32>
        %add3A_328 = arith.constant 2 : i32
        %add3A_329 = arith.addi %add3A_193, %add3A_328 : i32
        %swap3A_330 = arith.index_cast %add3A_329 : i32 to index
        %swap3A_331 = arith.constant 32 : index
        %swap3A_332 = tpu.vector_load %arg8[%swap3A_330, %swap3A_331] {strides = array<i32>} : memref<160x64xf32, #tpu.memory_space<vmem>>, vector<1x16xf32>,
        %swap3A_333 = vector.shape_cast %swap3A_332 : vector<1x16xf32> to vector<16xf32>
        %swap3A_334 = vector.shape_cast %get3A_327 : vector<16xf32> to vector<1x16xf32>
        tpu.vector_store %arg8[%swap3A_330, %swap3A_331], %swap3A_334 {strides = array<i32>} : memref<160x64xf32, #tpu.memory_space<vmem>>, vector<1x16xf32>,
        %add3A_335 = arith.constant 2 : i32
        %add3A_336 = arith.addi %add3A_193, %add3A_335 : i32
        %get3A_337 = arith.index_cast %add3A_336 : i32 to index
        %get3A_338 = arith.constant 48 : index
        %get3A_339 = tpu.vector_load %arg6[%get3A_337, %get3A_338] {strides = array<i32>} : memref<160x128xf32, #tpu.memory_space<vmem>>, vector<1x16xf32>,
        %get3A_340 = vector.shape_cast %get3A_339 : vector<1x16xf32> to vector<16xf32>
        %add3A_341 = arith.constant 2 : i32
        %add3A_342 = arith.addi %add3A_193, %add3A_341 : i32
        %swap3A_343 = arith.index_cast %add3A_342 : i32 to index
        %swap3A_344 = arith.constant 48 : index
        %swap3A_345 = tpu.vector_load %arg8[%swap3A_343, %swap3A_344] {strides = array<i32>} : memref<160x64xf32, #tpu.memory_space<vmem>>, vector<1x16xf32>,
        %swap3A_346 = vector.shape_cast %swap3A_345 : vector<1x16xf32> to vector<16xf32>
        %swap3A_347 = vector.shape_cast %get3A_340 : vector<16xf32> to vector<1x16xf32>
        tpu.vector_store %arg8[%swap3A_343, %swap3A_344], %swap3A_347 {strides = array<i32>} : memref<160x64xf32, #tpu.memory_space<vmem>>, vector<1x16xf32>,
        %add3A_348 = arith.constant 3 : i32
        %add3A_349 = arith.addi %add3A_193, %add3A_348 : i32
        %get3A_350 = arith.index_cast %add3A_349 : i32 to index
        %get3A_351 = arith.constant 0 : index
        %get3A_352 = tpu.vector_load %arg6[%get3A_350, %get3A_351] {strides = array<i32>} : memref<160x128xf32, #tpu.memory_space<vmem>>, vector<1x16xf32>,
        %get3A_353 = vector.shape_cast %get3A_352 : vector<1x16xf32> to vector<16xf32>
        %add3A_354 = arith.constant 3 : i32
        %add3A_355 = arith.addi %add3A_193, %add3A_354 : i32
        %swap3A_356 = arith.index_cast %add3A_355 : i32 to index
        %swap3A_357 = arith.constant 0 : index
        %swap3A_358 = tpu.vector_load %arg8[%swap3A_356, %swap3A_357] {strides = array<i32>} : memref<160x64xf32, #tpu.memory_space<vmem>>, vector<1x16xf32>,
        %swap3A_359 = vector.shape_cast %swap3A_358 : vector<1x16xf32> to vector<16xf32>
        %swap3A_360 = vector.shape_cast %get3A_353 : vector<16xf32> to vector<1x16xf32>
        tpu.vector_store %arg8[%swap3A_356, %swap3A_357], %swap3A_360 {strides = array<i32>} : memref<160x64xf32, #tpu.memory_space<vmem>>, vector<1x16xf32>,
        %add3A_361 = arith.constant 3 : i32
        %add3A_362 = arith.addi %add3A_193, %add3A_361 : i32
        %get3A_363 = arith.index_cast %add3A_362 : i32 to index
        %get3A_364 = arith.constant 16 : index
        %get3A_365 = tpu.vector_load %arg6[%get3A_363, %get3A_364] {strides = array<i32>} : memref<160x128xf32, #tpu.memory_space<vmem>>, vector<1x16xf32>,
        %get3A_366 = vector.shape_cast %get3A_365 : vector<1x16xf32> to vector<16xf32>
        %add3A_367 = arith.constant 3 : i32
        %add3A_368 = arith.addi %add3A_193, %add3A_367 : i32
        %swap3A_369 = arith.index_cast %add3A_368 : i32 to index
        %swap3A_370 = arith.constant 16 : index
        %swap3A_371 = tpu.vector_load %arg8[%swap3A_369, %swap3A_370] {strides = array<i32>} : memref<160x64xf32, #tpu.memory_space<vmem>>, vector<1x16xf32>,
        %swap3A_372 = vector.shape_cast %swap3A_371 : vector<1x16xf32> to vector<16xf32>
        %swap3A_373 = vector.shape_cast %get3A_366 : vector<16xf32> to vector<1x16xf32>
        tpu.vector_store %arg8[%swap3A_369, %swap3A_370], %swap3A_373 {strides = array<i32>} : memref<160x64xf32, #tpu.memory_space<vmem>>, vector<1x16xf32>,
        %add3A_374 = arith.constant 3 : i32
        %add3A_375 = arith.addi %add3A_193, %add3A_374 : i32
        %get3A_376 = arith.index_cast %add3A_375 : i32 to index
        %get3A_377 = arith.constant 32 : index
        %get3A_378 = tpu.vector_load %arg6[%get3A_376, %get3A_377] {strides = array<i32>} : memref<160x128xf32, #tpu.memory_space<vmem>>, vector<1x16xf32>,
        %get3A_379 = vector.shape_cast %get3A_378 : vector<1x16xf32> to vector<16xf32>
        %add3A_380 = arith.constant 3 : i32
        %add3A_381 = arith.addi %add3A_193, %add3A_380 : i32
        %swap3A_382 = arith.index_cast %add3A_381 : i32 to index
        %swap3A_383 = arith.constant 32 : index
        %swap3A_384 = tpu.vector_load %arg8[%swap3A_382, %swap3A_383] {strides = array<i32>} : memref<160x64xf32, #tpu.memory_space<vmem>>, vector<1x16xf32>,
        %swap3A_385 = vector.shape_cast %swap3A_384 : vector<1x16xf32> to vector<16xf32>
        %swap3A_386 = vector.shape_cast %get3A_379 : vector<16xf32> to vector<1x16xf32>
        tpu.vector_store %arg8[%swap3A_382, %swap3A_383], %swap3A_386 {strides = array<i32>} : memref<160x64xf32, #tpu.memory_space<vmem>>, vector<1x16xf32>,
        %add3A_387 = arith.constant 3 : i32
        %add3A_388 = arith.addi %add3A_193, %add3A_387 : i32
        %get3A_389 = arith.index_cast %add3A_388 : i32 to index
        %get3A_390 = arith.constant 48 : index
        %get3A_391 = tpu.vector_load %arg6[%get3A_389, %get3A_390] {strides = array<i32>} : memref<160x128xf32, #tpu.memory_space<vmem>>, vector<1x16xf32>,
        %get3A_392 = vector.shape_cast %get3A_391 : vector<1x16xf32> to vector<16xf32>
        %add3A_393 = arith.constant 3 : i32
        %add3A_394 = arith.addi %add3A_193, %add3A_393 : i32
        %swap3A_395 = arith.index_cast %add3A_394 : i32 to index
        %swap3A_396 = arith.constant 48 : index
        %swap3A_397 = tpu.vector_load %arg8[%swap3A_395, %swap3A_396] {strides = array<i32>} : memref<160x64xf32, #tpu.memory_space<vmem>>, vector<1x16xf32>,
        %swap3A_398 = vector.shape_cast %swap3A_397 : vector<1x16xf32> to vector<16xf32>
        %swap3A_399 = vector.shape_cast %get3A_392 : vector<16xf32> to vector<1x16xf32>
        tpu.vector_store %arg8[%swap3A_395, %swap3A_396], %swap3A_399 {strides = array<i32>} : memref<160x64xf32, #tpu.memory_space<vmem>>, vector<1x16xf32>,
      }
      %scan3A_137 = arith.constant 40 : i32
      %add3A_138 = arith.constant 2 : i32
      %add3A_139 = arith.addi %add3A_119, %add3A_138 : i32
      %mul3A_140 = arith.constant 160 : i32
      %mul3A_141 = arith.muli %add3A_139, %mul3A_140 : i32
      %dma_start3A_142 = tpu.memref_slice %arg5[%mul3A_141] : memref<25600xi32, #tpu.memory_space<vmem>> -> memref<160xi32, #tpu.memory_space<vmem>>
      %dma_start3A_143 = arith.constant 0 : i32
      %dma_start3A_144 = arith.constant 0 : i32
      %dma_start3A_145 = tpu.memref_slice %arg3[%dma_start3A_143, %dma_start3A_144] : memref<100000x128xf32, #tpu.memory_space<hbm>> -> memref<100000x128xf32, #tpu.memory_space<hbm>>
      tpu.enqueue_indirect_dma source(%dma_start3A_145 : memref<100000x128xf32, #tpu.memory_space<hbm>>) target(%arg6 : memref<160x128xf32, #tpu.memory_space<vmem>>) offsets(%dma_start3A_142 : memref<160xi32, #tpu.memory_space<vmem>>) semaphore(%arg10 : memref<!tpu.dma_semaphore, #tpu.memory_space<semaphore_mem>>)
      %mul3A_146 = arith.constant 160 : i32
      %mul3A_147 = arith.muli %add3A_119, %mul3A_146 : i32
      %add3A_148 = arith.addi %mul3A_2, %mul3A_147 : i32
      %dma_start3A_149 = arith.constant 0 : i32
      %dma_start3A_150 = tpu.memref_slice %arg4[%add3A_148, %dma_start3A_149] : memref<819200x64xf32, #tpu.memory_space<hbm>> -> memref<160x64xf32, #tpu.memory_space<hbm>>
      %dma_start3A_151 = arith.constant 0 : i32
      %dma_start3A_152 = tpu.memref_slice %arg4[%add3A_148, %dma_start3A_151] : memref<819200x64xf32, #tpu.memory_space<hbm>> -> memref<160x64xf32, #tpu.memory_space<hbm>>
      tpu.enqueue_dma source(%arg8 : memref<160x64xf32, #tpu.memory_space<vmem>>) target(%dma_start3A_152 : memref<160x64xf32, #tpu.memory_space<hbm>>) target_semaphore(%arg12 : memref<!tpu.dma_semaphore, #tpu.memory_space<semaphore_mem>>)
      %add3A_153 = arith.constant 1 : i32
      %add3A_154 = arith.addi %add3A_117, %add3A_153 : i32
      %dma_wait3A_155 = arith.constant 0 : i32
      %dma_wait3A_156 = tpu.memref_slice %arg5[%dma_wait3A_155] : memref<25600xi32, #tpu.memory_space<vmem>> -> memref<160xi32, #tpu.memory_space<vmem>>
      %dma_wait3A_157 = arith.constant 0 : i32
      %dma_wait3A_158 = arith.constant 0 : i32
      %dma_wait3A_159 = tpu.memref_slice %arg3[%dma_wait3A_157, %dma_wait3A_158] : memref<100000x128xf32, #tpu.memory_space<hbm>> -> memref<100000x128xf32, #tpu.memory_space<hbm>>
      tpu.wait_indirect_dma semaphore(%arg11 : memref<!tpu.dma_semaphore, #tpu.memory_space<semaphore_mem>>) src(%dma_wait3A_159 : memref<100000x128xf32, #tpu.memory_space<hbm>>) dst(%arg7 : memref<160x128xf32, #tpu.memory_space<vmem>>)
      %sub3A_160 = arith.constant 2 : i32
      %sub3A_161 = arith.subi %add3A_154, %sub3A_160 : i32
      %mul3A_162 = arith.constant 160 : i32
      %mul3A_163 = arith.muli %sub3A_161, %mul3A_162 : i32
      %add3A_164 = arith.addi %mul3A_2, %mul3A_163 : i32
      %dma_wait3A_165 = arith.constant 0 : i32
      %dma_wait3A_166 = tpu.memref_slice %arg4[%add3A_164, %dma_wait3A_165] : memref<819200x64xf32, #tpu.memory_space<hbm>> -> memref<160x64xf32, #tpu.memory_space<hbm>>
      %dma_wait3A_167 = arith.constant 0 : i32
      %dma_wait3A_168 = tpu.memref_slice %arg4[%add3A_164, %dma_wait3A_167] : memref<819200x64xf32, #tpu.memory_space<hbm>> -> memref<160x64xf32, #tpu.memory_space<hbm>>
      tpu.wait_dma2 semaphore(%arg13 : memref<!tpu.dma_semaphore, #tpu.memory_space<semaphore_mem>>) src(%arg9 : memref<160x64xf32, #tpu.memory_space<vmem>>) dst(%dma_wait3A_168 : memref<160x64xf32, #tpu.memory_space<hbm>>)
      %scan3A_169 = arith.constant 0 : i32
      %scan3A_170 = arith.constant 40 : i32
      %scan3A_171 = arith.addi %scan3A_169, %scan3A_170 : i32
      %scan3A_172 = arith.constant 1 : i32
      scf.for %scan3A_189 = %scan3A_169 to %scan3A_171 step %scan3A_172  : i32 {
        %mul3A_190 = arith.constant 4 : i32
        %mul3A_191 = arith.muli %scan3A_189, %mul3A_190 : i32
        %add3A_192 = arith.constant 0 : i32
        %add3A_193 = arith.addi %add3A_192, %mul3A_191 : i32
        %add3A_194 = arith.constant 0 : i32
        %add3A_195 = arith.addi %add3A_193, %add3A_194 : i32
        %get3A = arith.index_cast %add3A_195 : i32 to index
        %get3A_196 = arith.constant 0 : index
        %get3A_197 = tpu.vector_load %arg7[%get3A, %get3A_196] {strides = array<i32>} : memref<160x128xf32, #tpu.memory_space<vmem>>, vector<1x16xf32>,
        %get3A_198 = vector.shape_cast %get3A_197 : vector<1x16xf32> to vector<16xf32>
        %add3A_199 = arith.constant 0 : i32
        %add3A_200 = arith.addi %add3A_193, %add3A_199 : i32
        %swap3A = arith.index_cast %add3A_200 : i32 to index
        %swap3A_201 = arith.constant 0 : index
        %swap3A_202 = tpu.vector_load %arg9[%swap3A, %swap3A_201] {strides = array<i32>} : memref<160x64xf32, #tpu.memory_space<vmem>>, vector<1x16xf32>,
        %swap3A_203 = vector.shape_cast %swap3A_202 : vector<1x16xf32> to vector<16xf32>
        %swap3A_204 = vector.shape_cast %get3A_198 : vector<16xf32> to vector<1x16xf32>
        tpu.vector_store %arg9[%swap3A, %swap3A_201], %swap3A_204 {strides = array<i32>} : memref<160x64xf32, #tpu.memory_space<vmem>>, vector<1x16xf32>,
        %add3A_205 = arith.constant 0 : i32
        %add3A_206 = arith.addi %add3A_193, %add3A_205 : i32
        %get3A_207 = arith.index_cast %add3A_206 : i32 to index
        %get3A_208 = arith.constant 16 : index
        %get3A_209 = tpu.vector_load %arg7[%get3A_207, %get3A_208] {strides = array<i32>} : memref<160x128xf32, #tpu.memory_space<vmem>>, vector<1x16xf32>,
        %get3A_210 = vector.shape_cast %get3A_209 : vector<1x16xf32> to vector<16xf32>
        %add3A_211 = arith.constant 0 : i32
        %add3A_212 = arith.addi %add3A_193, %add3A_211 : i32
        %swap3A_213 = arith.index_cast %add3A_212 : i32 to index
        %swap3A_214 = arith.constant 16 : index
        %swap3A_215 = tpu.vector_load %arg9[%swap3A_213, %swap3A_214] {strides = array<i32>} : memref<160x64xf32, #tpu.memory_space<vmem>>, vector<1x16xf32>,
        %swap3A_216 = vector.shape_cast %swap3A_215 : vector<1x16xf32> to vector<16xf32>
        %swap3A_217 = vector.shape_cast %get3A_210 : vector<16xf32> to vector<1x16xf32>
        tpu.vector_store %arg9[%swap3A_213, %swap3A_214], %swap3A_217 {strides = array<i32>} : memref<160x64xf32, #tpu.memory_space<vmem>>, vector<1x16xf32>,
        %add3A_218 = arith.constant 0 : i32
        %add3A_219 = arith.addi %add3A_193, %add3A_218 : i32
        %get3A_220 = arith.index_cast %add3A_219 : i32 to index
        %get3A_221 = arith.constant 32 : index
        %get3A_222 = tpu.vector_load %arg7[%get3A_220, %get3A_221] {strides = array<i32>} : memref<160x128xf32, #tpu.memory_space<vmem>>, vector<1x16xf32>,
        %get3A_223 = vector.shape_cast %get3A_222 : vector<1x16xf32> to vector<16xf32>
        %add3A_224 = arith.constant 0 : i32
        %add3A_225 = arith.addi %add3A_193, %add3A_224 : i32
        %swap3A_226 = arith.index_cast %add3A_225 : i32 to index
        %swap3A_227 = arith.constant 32 : index
        %swap3A_228 = tpu.vector_load %arg9[%swap3A_226, %swap3A_227] {strides = array<i32>} : memref<160x64xf32, #tpu.memory_space<vmem>>, vector<1x16xf32>,
        %swap3A_229 = vector.shape_cast %swap3A_228 : vector<1x16xf32> to vector<16xf32>
        %swap3A_230 = vector.shape_cast %get3A_223 : vector<16xf32> to vector<1x16xf32>
        tpu.vector_store %arg9[%swap3A_226, %swap3A_227], %swap3A_230 {strides = array<i32>} : memref<160x64xf32, #tpu.memory_space<vmem>>, vector<1x16xf32>,
        %add3A_231 = arith.constant 0 : i32
        %add3A_232 = arith.addi %add3A_193, %add3A_231 : i32
        %get3A_233 = arith.index_cast %add3A_232 : i32 to index
        %get3A_234 = arith.constant 48 : index
        %get3A_235 = tpu.vector_load %arg7[%get3A_233, %get3A_234] {strides = array<i32>} : memref<160x128xf32, #tpu.memory_space<vmem>>, vector<1x16xf32>,
        %get3A_236 = vector.shape_cast %get3A_235 : vector<1x16xf32> to vector<16xf32>
        %add3A_237 = arith.constant 0 : i32
        %add3A_238 = arith.addi %add3A_193, %add3A_237 : i32
        %swap3A_239 = arith.index_cast %add3A_238 : i32 to index
        %swap3A_240 = arith.constant 48 : index
        %swap3A_241 = tpu.vector_load %arg9[%swap3A_239, %swap3A_240] {strides = array<i32>} : memref<160x64xf32, #tpu.memory_space<vmem>>, vector<1x16xf32>,
        %swap3A_242 = vector.shape_cast %swap3A_241 : vector<1x16xf32> to vector<16xf32>
        %swap3A_243 = vector.shape_cast %get3A_236 : vector<16xf32> to vector<1x16xf32>
        tpu.vector_store %arg9[%swap3A_239, %swap3A_240], %swap3A_243 {strides = array<i32>} : memref<160x64xf32, #tpu.memory_space<vmem>>, vector<1x16xf32>,
        %add3A_244 = arith.constant 1 : i32
        %add3A_245 = arith.addi %add3A_193, %add3A_244 : i32
        %get3A_246 = arith.index_cast %add3A_245 : i32 to index
        %get3A_247 = arith.constant 0 : index
        %get3A_248 = tpu.vector_load %arg7[%get3A_246, %get3A_247] {strides = array<i32>} : memref<160x128xf32, #tpu.memory_space<vmem>>, vector<1x16xf32>,
        %get3A_249 = vector.shape_cast %get3A_248 : vector<1x16xf32> to vector<16xf32>
        %add3A_250 = arith.constant 1 : i32
        %add3A_251 = arith.addi %add3A_193, %add3A_250 : i32
        %swap3A_252 = arith.index_cast %add3A_251 : i32 to index
        %swap3A_253 = arith.constant 0 : index
        %swap3A_254 = tpu.vector_load %arg9[%swap3A_252, %swap3A_253] {strides = array<i32>} : memref<160x64xf32, #tpu.memory_space<vmem>>, vector<1x16xf32>,
        %swap3A_255 = vector.shape_cast %swap3A_254 : vector<1x16xf32> to vector<16xf32>
        %swap3A_256 = vector.shape_cast %get3A_249 : vector<16xf32> to vector<1x16xf32>
        tpu.vector_store %arg9[%swap3A_252, %swap3A_253], %swap3A_256 {strides = array<i32>} : memref<160x64xf32, #tpu.memory_space<vmem>>, vector<1x16xf32>,
        %add3A_257 = arith.constant 1 : i32
        %add3A_258 = arith.addi %add3A_193, %add3A_257 : i32
        %get3A_259 = arith.index_cast %add3A_258 : i32 to index
        %get3A_260 = arith.constant 16 : index
        %get3A_261 = tpu.vector_load %arg7[%get3A_259, %get3A_260] {strides = array<i32>} : memref<160x128xf32, #tpu.memory_space<vmem>>, vector<1x16xf32>,
        %get3A_262 = vector.shape_cast %get3A_261 : vector<1x16xf32> to vector<16xf32>
        %add3A_263 = arith.constant 1 : i32
        %add3A_264 = arith.addi %add3A_193, %add3A_263 : i32
        %swap3A_265 = arith.index_cast %add3A_264 : i32 to index
        %swap3A_266 = arith.constant 16 : index
        %swap3A_267 = tpu.vector_load %arg9[%swap3A_265, %swap3A_266] {strides = array<i32>} : memref<160x64xf32, #tpu.memory_space<vmem>>, vector<1x16xf32>,
        %swap3A_268 = vector.shape_cast %swap3A_267 : vector<1x16xf32> to vector<16xf32>
        %swap3A_269 = vector.shape_cast %get3A_262 : vector<16xf32> to vector<1x16xf32>
        tpu.vector_store %arg9[%swap3A_265, %swap3A_266], %swap3A_269 {strides = array<i32>} : memref<160x64xf32, #tpu.memory_space<vmem>>, vector<1x16xf32>,
        %add3A_270 = arith.constant 1 : i32
        %add3A_271 = arith.addi %add3A_193, %add3A_270 : i32
        %get3A_272 = arith.index_cast %add3A_271 : i32 to index
        %get3A_273 = arith.constant 32 : index
        %get3A_274 = tpu.vector_load %arg7[%get3A_272, %get3A_273] {strides = array<i32>} : memref<160x128xf32, #tpu.memory_space<vmem>>, vector<1x16xf32>,
        %get3A_275 = vector.shape_cast %get3A_274 : vector<1x16xf32> to vector<16xf32>
        %add3A_276 = arith.constant 1 : i32
        %add3A_277 = arith.addi %add3A_193, %add3A_276 : i32
        %swap3A_278 = arith.index_cast %add3A_277 : i32 to index
        %swap3A_279 = arith.constant 32 : index
        %swap3A_280 = tpu.vector_load %arg9[%swap3A_278, %swap3A_279] {strides = array<i32>} : memref<160x64xf32, #tpu.memory_space<vmem>>, vector<1x16xf32>,
        %swap3A_281 = vector.shape_cast %swap3A_280 : vector<1x16xf32> to vector<16xf32>
        %swap3A_282 = vector.shape_cast %get3A_275 : vector<16xf32> to vector<1x16xf32>
        tpu.vector_store %arg9[%swap3A_278, %swap3A_279], %swap3A_282 {strides = array<i32>} : memref<160x64xf32, #tpu.memory_space<vmem>>, vector<1x16xf32>,
        %add3A_283 = arith.constant 1 : i32
        %add3A_284 = arith.addi %add3A_193, %add3A_283 : i32
        %get3A_285 = arith.index_cast %add3A_284 : i32 to index
        %get3A_286 = arith.constant 48 : index
        %get3A_287 = tpu.vector_load %arg7[%get3A_285, %get3A_286] {strides = array<i32>} : memref<160x128xf32, #tpu.memory_space<vmem>>, vector<1x16xf32>,
        %get3A_288 = vector.shape_cast %get3A_287 : vector<1x16xf32> to vector<16xf32>
        %add3A_289 = arith.constant 1 : i32
        %add3A_290 = arith.addi %add3A_193, %add3A_289 : i32
        %swap3A_291 = arith.index_cast %add3A_290 : i32 to index
        %swap3A_292 = arith.constant 48 : index
        %swap3A_293 = tpu.vector_load %arg9[%swap3A_291, %swap3A_292] {strides = array<i32>} : memref<160x64xf32, #tpu.memory_space<vmem>>, vector<1x16xf32>,
        %swap3A_294 = vector.shape_cast %swap3A_293 : vector<1x16xf32> to vector<16xf32>
        %swap3A_295 = vector.shape_cast %get3A_288 : vector<16xf32> to vector<1x16xf32>
        tpu.vector_store %arg9[%swap3A_291, %swap3A_292], %swap3A_295 {strides = array<i32>} : memref<160x64xf32, #tpu.memory_space<vmem>>, vector<1x16xf32>,
        %add3A_296 = arith.constant 2 : i32
        %add3A_297 = arith.addi %add3A_193, %add3A_296 : i32
        %get3A_298 = arith.index_cast %add3A_297 : i32 to index
        %get3A_299 = arith.constant 0 : index
        %get3A_300 = tpu.vector_load %arg7[%get3A_298, %get3A_299] {strides = array<i32>} : memref<160x128xf32, #tpu.memory_space<vmem>>, vector<1x16xf32>,
        %get3A_301 = vector.shape_cast %get3A_300 : vector<1x16xf32> to vector<16xf32>
        %add3A_302 = arith.constant 2 : i32
        %add3A_303 = arith.addi %add3A_193, %add3A_302 : i32
        %swap3A_304 = arith.index_cast %add3A_303 : i32 to index
        %swap3A_305 = arith.constant 0 : index
        %swap3A_306 = tpu.vector_load %arg9[%swap3A_304, %swap3A_305] {strides = array<i32>} : memref<160x64xf32, #tpu.memory_space<vmem>>, vector<1x16xf32>,
        %swap3A_307 = vector.shape_cast %swap3A_306 : vector<1x16xf32> to vector<16xf32>
        %swap3A_308 = vector.shape_cast %get3A_301 : vector<16xf32> to vector<1x16xf32>
        tpu.vector_store %arg9[%swap3A_304, %swap3A_305], %swap3A_308 {strides = array<i32>} : memref<160x64xf32, #tpu.memory_space<vmem>>, vector<1x16xf32>,
        %add3A_309 = arith.constant 2 : i32
        %add3A_310 = arith.addi %add3A_193, %add3A_309 : i32
        %get3A_311 = arith.index_cast %add3A_310 : i32 to index
        %get3A_312 = arith.constant 16 : index
        %get3A_313 = tpu.vector_load %arg7[%get3A_311, %get3A_312] {strides = array<i32>} : memref<160x128xf32, #tpu.memory_space<vmem>>, vector<1x16xf32>,
        %get3A_314 = vector.shape_cast %get3A_313 : vector<1x16xf32> to vector<16xf32>
        %add3A_315 = arith.constant 2 : i32
        %add3A_316 = arith.addi %add3A_193, %add3A_315 : i32
        %swap3A_317 = arith.index_cast %add3A_316 : i32 to index
        %swap3A_318 = arith.constant 16 : index
        %swap3A_319 = tpu.vector_load %arg9[%swap3A_317, %swap3A_318] {strides = array<i32>} : memref<160x64xf32, #tpu.memory_space<vmem>>, vector<1x16xf32>,
        %swap3A_320 = vector.shape_cast %swap3A_319 : vector<1x16xf32> to vector<16xf32>
        %swap3A_321 = vector.shape_cast %get3A_314 : vector<16xf32> to vector<1x16xf32>
        tpu.vector_store %arg9[%swap3A_317, %swap3A_318], %swap3A_321 {strides = array<i32>} : memref<160x64xf32, #tpu.memory_space<vmem>>, vector<1x16xf32>,
        %add3A_322 = arith.constant 2 : i32
        %add3A_323 = arith.addi %add3A_193, %add3A_322 : i32
        %get3A_324 = arith.index_cast %add3A_323 : i32 to index
        %get3A_325 = arith.constant 32 : index
        %get3A_326 = tpu.vector_load %arg7[%get3A_324, %get3A_325] {strides = array<i32>} : memref<160x128xf32, #tpu.memory_space<vmem>>, vector<1x16xf32>,
        %get3A_327 = vector.shape_cast %get3A_326 : vector<1x16xf32> to vector<16xf32>
        %add3A_328 = arith.constant 2 : i32
        %add3A_329 = arith.addi %add3A_193, %add3A_328 : i32
        %swap3A_330 = arith.index_cast %add3A_329 : i32 to index
        %swap3A_331 = arith.constant 32 : index
        %swap3A_332 = tpu.vector_load %arg9[%swap3A_330, %swap3A_331] {strides = array<i32>} : memref<160x64xf32, #tpu.memory_space<vmem>>, vector<1x16xf32>,
        %swap3A_333 = vector.shape_cast %swap3A_332 : vector<1x16xf32> to vector<16xf32>
        %swap3A_334 = vector.shape_cast %get3A_327 : vector<16xf32> to vector<1x16xf32>
        tpu.vector_store %arg9[%swap3A_330, %swap3A_331], %swap3A_334 {strides = array<i32>} : memref<160x64xf32, #tpu.memory_space<vmem>>, vector<1x16xf32>,
        %add3A_335 = arith.constant 2 : i32
        %add3A_336 = arith.addi %add3A_193, %add3A_335 : i32
        %get3A_337 = arith.index_cast %add3A_336 : i32 to index
        %get3A_338 = arith.constant 48 : index
        %get3A_339 = tpu.vector_load %arg7[%get3A_337, %get3A_338] {strides = array<i32>} : memref<160x128xf32, #tpu.memory_space<vmem>>, vector<1x16xf32>,
        %get3A_340 = vector.shape_cast %get3A_339 : vector<1x16xf32> to vector<16xf32>
        %add3A_341 = arith.constant 2 : i32
        %add3A_342 = arith.addi %add3A_193, %add3A_341 : i32
        %swap3A_343 = arith.index_cast %add3A_342 : i32 to index
        %swap3A_344 = arith.constant 48 : index
        %swap3A_345 = tpu.vector_load %arg9[%swap3A_343, %swap3A_344] {strides = array<i32>} : memref<160x64xf32, #tpu.memory_space<vmem>>, vector<1x16xf32>,
        %swap3A_346 = vector.shape_cast %swap3A_345 : vector<1x16xf32> to vector<16xf32>
        %swap3A_347 = vector.shape_cast %get3A_340 : vector<16xf32> to vector<1x16xf32>
        tpu.vector_store %arg9[%swap3A_343, %swap3A_344], %swap3A_347 {strides = array<i32>} : memref<160x64xf32, #tpu.memory_space<vmem>>, vector<1x16xf32>,
        %add3A_348 = arith.constant 3 : i32
        %add3A_349 = arith.addi %add3A_193, %add3A_348 : i32
        %get3A_350 = arith.index_cast %add3A_349 : i32 to index
        %get3A_351 = arith.constant 0 : index
        %get3A_352 = tpu.vector_load %arg7[%get3A_350, %get3A_351] {strides = array<i32>} : memref<160x128xf32, #tpu.memory_space<vmem>>, vector<1x16xf32>,
        %get3A_353 = vector.shape_cast %get3A_352 : vector<1x16xf32> to vector<16xf32>
        %add3A_354 = arith.constant 3 : i32
        %add3A_355 = arith.addi %add3A_193, %add3A_354 : i32
        %swap3A_356 = arith.index_cast %add3A_355 : i32 to index
        %swap3A_357 = arith.constant 0 : index
        %swap3A_358 = tpu.vector_load %arg9[%swap3A_356, %swap3A_357] {strides = array<i32>} : memref<160x64xf32, #tpu.memory_space<vmem>>, vector<1x16xf32>,
        %swap3A_359 = vector.shape_cast %swap3A_358 : vector<1x16xf32> to vector<16xf32>
        %swap3A_360 = vector.shape_cast %get3A_353 : vector<16xf32> to vector<1x16xf32>
        tpu.vector_store %arg9[%swap3A_356, %swap3A_357], %swap3A_360 {strides = array<i32>} : memref<160x64xf32, #tpu.memory_space<vmem>>, vector<1x16xf32>,
        %add3A_361 = arith.constant 3 : i32
        %add3A_362 = arith.addi %add3A_193, %add3A_361 : i32
        %get3A_363 = arith.index_cast %add3A_362 : i32 to index
        %get3A_364 = arith.constant 16 : index
        %get3A_365 = tpu.vector_load %arg7[%get3A_363, %get3A_364] {strides = array<i32>} : memref<160x128xf32, #tpu.memory_space<vmem>>, vector<1x16xf32>,
        %get3A_366 = vector.shape_cast %get3A_365 : vector<1x16xf32> to vector<16xf32>
        %add3A_367 = arith.constant 3 : i32
        %add3A_368 = arith.addi %add3A_193, %add3A_367 : i32
        %swap3A_369 = arith.index_cast %add3A_368 : i32 to index
        %swap3A_370 = arith.constant 16 : index
        %swap3A_371 = tpu.vector_load %arg9[%swap3A_369, %swap3A_370] {strides = array<i32>} : memref<160x64xf32, #tpu.memory_space<vmem>>, vector<1x16xf32>,
        %swap3A_372 = vector.shape_cast %swap3A_371 : vector<1x16xf32> to vector<16xf32>
        %swap3A_373 = vector.shape_cast %get3A_366 : vector<16xf32> to vector<1x16xf32>
        tpu.vector_store %arg9[%swap3A_369, %swap3A_370], %swap3A_373 {strides = array<i32>} : memref<160x64xf32, #tpu.memory_space<vmem>>, vector<1x16xf32>,
        %add3A_374 = arith.constant 3 : i32
        %add3A_375 = arith.addi %add3A_193, %add3A_374 : i32
        %get3A_376 = arith.index_cast %add3A_375 : i32 to index
        %get3A_377 = arith.constant 32 : index
        %get3A_378 = tpu.vector_load %arg7[%get3A_376, %get3A_377] {strides = array<i32>} : memref<160x128xf32, #tpu.memory_space<vmem>>, vector<1x16xf32>,
        %get3A_379 = vector.shape_cast %get3A_378 : vector<1x16xf32> to vector<16xf32>
        %add3A_380 = arith.constant 3 : i32
        %add3A_381 = arith.addi %add3A_193, %add3A_380 : i32
        %swap3A_382 = arith.index_cast %add3A_381 : i32 to index
        %swap3A_383 = arith.constant 32 : index
        %swap3A_384 = tpu.vector_load %arg9[%swap3A_382, %swap3A_383] {strides = array<i32>} : memref<160x64xf32, #tpu.memory_space<vmem>>, vector<1x16xf32>,
        %swap3A_385 = vector.shape_cast %swap3A_384 : vector<1x16xf32> to vector<16xf32>
        %swap3A_386 = vector.shape_cast %get3A_379 : vector<16xf32> to vector<1x16xf32>
        tpu.vector_store %arg9[%swap3A_382, %swap3A_383], %swap3A_386 {strides = array<i32>} : memref<160x64xf32, #tpu.memory_space<vmem>>, vector<1x16xf32>,
        %add3A_387 = arith.constant 3 : i32
        %add3A_388 = arith.addi %add3A_193, %add3A_387 : i32
        %get3A_389 = arith.index_cast %add3A_388 : i32 to index
        %get3A_390 = arith.constant 48 : index
        %get3A_391 = tpu.vector_load %arg7[%get3A_389, %get3A_390] {strides = array<i32>} : memref<160x128xf32, #tpu.memory_space<vmem>>, vector<1x16xf32>,
        %get3A_392 = vector.shape_cast %get3A_391 : vector<1x16xf32> to vector<16xf32>
        %add3A_393 = arith.constant 3 : i32
        %add3A_394 = arith.addi %add3A_193, %add3A_393 : i32
        %swap3A_395 = arith.index_cast %add3A_394 : i32 to index
        %swap3A_396 = arith.constant 48 : index
        %swap3A_397 = tpu.vector_load %arg9[%swap3A_395, %swap3A_396] {strides = array<i32>} : memref<160x64xf32, #tpu.memory_space<vmem>>, vector<1x16xf32>,
        %swap3A_398 = vector.shape_cast %swap3A_397 : vector<1x16xf32> to vector<16xf32>
        %swap3A_399 = vector.shape_cast %get3A_392 : vector<16xf32> to vector<1x16xf32>
        tpu.vector_store %arg9[%swap3A_395, %swap3A_396], %swap3A_399 {strides = array<i32>} : memref<160x64xf32, #tpu.memory_space<vmem>>, vector<1x16xf32>,
      }
      %scan3A_173 = arith.constant 40 : i32
      %add3A_174 = arith.constant 2 : i32
      %add3A_175 = arith.addi %add3A_154, %add3A_174 : i32
      %mul3A_176 = arith.constant 160 : i32
      %mul3A_177 = arith.muli %add3A_175, %mul3A_176 : i32
      %dma_start3A_178 = tpu.memref_slice %arg5[%mul3A_177] : memref<25600xi32, #tpu.memory_space<vmem>> -> memref<160xi32, #tpu.memory_space<vmem>>
      %dma_start3A_179 = arith.constant 0 : i32
      %dma_start3A_180 = arith.constant 0 : i32
      %dma_start3A_181 = tpu.memref_slice %arg3[%dma_start3A_179, %dma_start3A_180] : memref<100000x128xf32, #tpu.memory_space<hbm>> -> memref<100000x128xf32, #tpu.memory_space<hbm>>
      tpu.enqueue_indirect_dma source(%dma_start3A_181 : memref<100000x128xf32, #tpu.memory_space<hbm>>) target(%arg7 : memref<160x128xf32, #tpu.memory_space<vmem>>) offsets(%dma_start3A_178 : memref<160xi32, #tpu.memory_space<vmem>>) semaphore(%arg11 : memref<!tpu.dma_semaphore, #tpu.memory_space<semaphore_mem>>)
      %mul3A_182 = arith.constant 160 : i32
      %mul3A_183 = arith.muli %add3A_154, %mul3A_182 : i32
      %add3A_184 = arith.addi %mul3A_2, %mul3A_183 : i32
      %dma_start3A_185 = arith.constant 0 : i32
      %dma_start3A_186 = tpu.memref_slice %arg4[%add3A_184, %dma_start3A_185] : memref<819200x64xf32, #tpu.memory_space<hbm>> -> memref<160x64xf32, #tpu.memory_space<hbm>>
      %dma_start3A_187 = arith.constant 0 : i32
      %dma_start3A_188 = tpu.memref_slice %arg4[%add3A_184, %dma_start3A_187] : memref<819200x64xf32, #tpu.memory_space<hbm>> -> memref<160x64xf32, #tpu.memory_space<hbm>>
      tpu.enqueue_dma source(%arg9 : memref<160x64xf32, #tpu.memory_space<vmem>>) target(%dma_start3A_188 : memref<160x64xf32, #tpu.memory_space<hbm>>) target_semaphore(%arg13 : memref<!tpu.dma_semaphore, #tpu.memory_space<semaphore_mem>>)
    }
    %scan3A_56 = arith.constant 78 : i32
    %dma_wait3A_57 = arith.constant 0 : i32
    %dma_wait3A_58 = tpu.memref_slice %arg5[%dma_wait3A_57] : memref<25600xi32, #tpu.memory_space<vmem>> -> memref<160xi32, #tpu.memory_space<vmem>>
    %dma_wait3A_59 = arith.constant 0 : i32
    %dma_wait3A_60 = arith.constant 0 : i32
    %dma_wait3A_61 = tpu.memref_slice %arg3[%dma_wait3A_59, %dma_wait3A_60] : memref<100000x128xf32, #tpu.memory_space<hbm>> -> memref<100000x128xf32, #tpu.memory_space<hbm>>
    tpu.wait_indirect_dma semaphore(%arg10 : memref<!tpu.dma_semaphore, #tpu.memory_space<semaphore_mem>>) src(%dma_wait3A_61 : memref<100000x128xf32, #tpu.memory_space<hbm>>) dst(%arg6 : memref<160x128xf32, #tpu.memory_space<vmem>>)
    %add3A_62 = arith.constant 24960 : i32
    %add3A_63 = arith.addi %mul3A_2, %add3A_62 : i32
    %dma_wait3A_64 = arith.constant 0 : i32
    %dma_wait3A_65 = tpu.memref_slice %arg4[%add3A_63, %dma_wait3A_64] : memref<819200x64xf32, #tpu.memory_space<hbm>> -> memref<160x64xf32, #tpu.memory_space<hbm>>
    %dma_wait3A_66 = arith.constant 0 : i32
    %dma_wait3A_67 = tpu.memref_slice %arg4[%add3A_63, %dma_wait3A_66] : memref<819200x64xf32, #tpu.memory_space<hbm>> -> memref<160x64xf32, #tpu.memory_space<hbm>>
    tpu.wait_dma2 semaphore(%arg12 : memref<!tpu.dma_semaphore, #tpu.memory_space<semaphore_mem>>) src(%arg8 : memref<160x64xf32, #tpu.memory_space<vmem>>) dst(%dma_wait3A_67 : memref<160x64xf32, #tpu.memory_space<hbm>>)
    %scan3A_68 = arith.constant 0 : i32
    %scan3A_69 = arith.constant 40 : i32
    %scan3A_70 = arith.addi %scan3A_68, %scan3A_69 : i32
    %scan3A_71 = arith.constant 1 : i32
    scf.for %scan3A_113 = %scan3A_68 to %scan3A_70 step %scan3A_71  : i32 {
      %mul3A_114 = arith.constant 4 : i32
      %mul3A_115 = arith.muli %scan3A_113, %mul3A_114 : i32
      %add3A_116 = arith.constant 0 : i32
      %add3A_117 = arith.addi %add3A_116, %mul3A_115 : i32
      %add3A_118 = arith.constant 0 : i32
      %add3A_119 = arith.addi %add3A_117, %add3A_118 : i32
      %get3A = arith.index_cast %add3A_119 : i32 to index
      %get3A_120 = arith.constant 0 : index
      %get3A_121 = tpu.vector_load %arg6[%get3A, %get3A_120] {strides = array<i32>} : memref<160x128xf32, #tpu.memory_space<vmem>>, vector<1x16xf32>,
      %get3A_122 = vector.shape_cast %get3A_121 : vector<1x16xf32> to vector<16xf32>
      %add3A_123 = arith.constant 0 : i32
      %add3A_124 = arith.addi %add3A_117, %add3A_123 : i32
      %swap3A = arith.index_cast %add3A_124 : i32 to index
      %swap3A_125 = arith.constant 0 : index
      %swap3A_126 = tpu.vector_load %arg8[%swap3A, %swap3A_125] {strides = array<i32>} : memref<160x64xf32, #tpu.memory_space<vmem>>, vector<1x16xf32>,
      %swap3A_127 = vector.shape_cast %swap3A_126 : vector<1x16xf32> to vector<16xf32>
      %swap3A_128 = vector.shape_cast %get3A_122 : vector<16xf32> to vector<1x16xf32>
      tpu.vector_store %arg8[%swap3A, %swap3A_125], %swap3A_128 {strides = array<i32>} : memref<160x64xf32, #tpu.memory_space<vmem>>, vector<1x16xf32>,
      %add3A_129 = arith.constant 0 : i32
      %add3A_130 = arith.addi %add3A_117, %add3A_129 : i32
      %get3A_131 = arith.index_cast %add3A_130 : i32 to index
      %get3A_132 = arith.constant 16 : index
      %get3A_133 = tpu.vector_load %arg6[%get3A_131, %get3A_132] {strides = array<i32>} : memref<160x128xf32, #tpu.memory_space<vmem>>, vector<1x16xf32>,
      %get3A_134 = vector.shape_cast %get3A_133 : vector<1x16xf32> to vector<16xf32>
      %add3A_135 = arith.constant 0 : i32
      %add3A_136 = arith.addi %add3A_117, %add3A_135 : i32
      %swap3A_137 = arith.index_cast %add3A_136 : i32 to index
      %swap3A_138 = arith.constant 16 : index
      %swap3A_139 = tpu.vector_load %arg8[%swap3A_137, %swap3A_138] {strides = array<i32>} : memref<160x64xf32, #tpu.memory_space<vmem>>, vector<1x16xf32>,
      %swap3A_140 = vector.shape_cast %swap3A_139 : vector<1x16xf32> to vector<16xf32>
      %swap3A_141 = vector.shape_cast %get3A_134 : vector<16xf32> to vector<1x16xf32>
      tpu.vector_store %arg8[%swap3A_137, %swap3A_138], %swap3A_141 {strides = array<i32>} : memref<160x64xf32, #tpu.memory_space<vmem>>, vector<1x16xf32>,
      %add3A_142 = arith.constant 0 : i32
      %add3A_143 = arith.addi %add3A_117, %add3A_142 : i32
      %get3A_144 = arith.index_cast %add3A_143 : i32 to index
      %get3A_145 = arith.constant 32 : index
      %get3A_146 = tpu.vector_load %arg6[%get3A_144, %get3A_145] {strides = array<i32>} : memref<160x128xf32, #tpu.memory_space<vmem>>, vector<1x16xf32>,
      %get3A_147 = vector.shape_cast %get3A_146 : vector<1x16xf32> to vector<16xf32>
      %add3A_148 = arith.constant 0 : i32
      %add3A_149 = arith.addi %add3A_117, %add3A_148 : i32
      %swap3A_150 = arith.index_cast %add3A_149 : i32 to index
      %swap3A_151 = arith.constant 32 : index
      %swap3A_152 = tpu.vector_load %arg8[%swap3A_150, %swap3A_151] {strides = array<i32>} : memref<160x64xf32, #tpu.memory_space<vmem>>, vector<1x16xf32>,
      %swap3A_153 = vector.shape_cast %swap3A_152 : vector<1x16xf32> to vector<16xf32>
      %swap3A_154 = vector.shape_cast %get3A_147 : vector<16xf32> to vector<1x16xf32>
      tpu.vector_store %arg8[%swap3A_150, %swap3A_151], %swap3A_154 {strides = array<i32>} : memref<160x64xf32, #tpu.memory_space<vmem>>, vector<1x16xf32>,
      %add3A_155 = arith.constant 0 : i32
      %add3A_156 = arith.addi %add3A_117, %add3A_155 : i32
      %get3A_157 = arith.index_cast %add3A_156 : i32 to index
      %get3A_158 = arith.constant 48 : index
      %get3A_159 = tpu.vector_load %arg6[%get3A_157, %get3A_158] {strides = array<i32>} : memref<160x128xf32, #tpu.memory_space<vmem>>, vector<1x16xf32>,
      %get3A_160 = vector.shape_cast %get3A_159 : vector<1x16xf32> to vector<16xf32>
      %add3A_161 = arith.constant 0 : i32
      %add3A_162 = arith.addi %add3A_117, %add3A_161 : i32
      %swap3A_163 = arith.index_cast %add3A_162 : i32 to index
      %swap3A_164 = arith.constant 48 : index
      %swap3A_165 = tpu.vector_load %arg8[%swap3A_163, %swap3A_164] {strides = array<i32>} : memref<160x64xf32, #tpu.memory_space<vmem>>, vector<1x16xf32>,
      %swap3A_166 = vector.shape_cast %swap3A_165 : vector<1x16xf32> to vector<16xf32>
      %swap3A_167 = vector.shape_cast %get3A_160 : vector<16xf32> to vector<1x16xf32>
      tpu.vector_store %arg8[%swap3A_163, %swap3A_164], %swap3A_167 {strides = array<i32>} : memref<160x64xf32, #tpu.memory_space<vmem>>, vector<1x16xf32>,
      %add3A_168 = arith.constant 1 : i32
      %add3A_169 = arith.addi %add3A_117, %add3A_168 : i32
      %get3A_170 = arith.index_cast %add3A_169 : i32 to index
      %get3A_171 = arith.constant 0 : index
      %get3A_172 = tpu.vector_load %arg6[%get3A_170, %get3A_171] {strides = array<i32>} : memref<160x128xf32, #tpu.memory_space<vmem>>, vector<1x16xf32>,
      %get3A_173 = vector.shape_cast %get3A_172 : vector<1x16xf32> to vector<16xf32>
      %add3A_174 = arith.constant 1 : i32
      %add3A_175 = arith.addi %add3A_117, %add3A_174 : i32
      %swap3A_176 = arith.index_cast %add3A_175 : i32 to index
      %swap3A_177 = arith.constant 0 : index
      %swap3A_178 = tpu.vector_load %arg8[%swap3A_176, %swap3A_177] {strides = array<i32>} : memref<160x64xf32, #tpu.memory_space<vmem>>, vector<1x16xf32>,
      %swap3A_179 = vector.shape_cast %swap3A_178 : vector<1x16xf32> to vector<16xf32>
      %swap3A_180 = vector.shape_cast %get3A_173 : vector<16xf32> to vector<1x16xf32>
      tpu.vector_store %arg8[%swap3A_176, %swap3A_177], %swap3A_180 {strides = array<i32>} : memref<160x64xf32, #tpu.memory_space<vmem>>, vector<1x16xf32>,
      %add3A_181 = arith.constant 1 : i32
      %add3A_182 = arith.addi %add3A_117, %add3A_181 : i32
      %get3A_183 = arith.index_cast %add3A_182 : i32 to index
      %get3A_184 = arith.constant 16 : index
      %get3A_185 = tpu.vector_load %arg6[%get3A_183, %get3A_184] {strides = array<i32>} : memref<160x128xf32, #tpu.memory_space<vmem>>, vector<1x16xf32>,
      %get3A_186 = vector.shape_cast %get3A_185 : vector<1x16xf32> to vector<16xf32>
      %add3A_187 = arith.constant 1 : i32
      %add3A_188 = arith.addi %add3A_117, %add3A_187 : i32
      %swap3A_189 = arith.index_cast %add3A_188 : i32 to index
      %swap3A_190 = arith.constant 16 : index
      %swap3A_191 = tpu.vector_load %arg8[%swap3A_189, %swap3A_190] {strides = array<i32>} : memref<160x64xf32, #tpu.memory_space<vmem>>, vector<1x16xf32>,
      %swap3A_192 = vector.shape_cast %swap3A_191 : vector<1x16xf32> to vector<16xf32>
      %swap3A_193 = vector.shape_cast %get3A_186 : vector<16xf32> to vector<1x16xf32>
      tpu.vector_store %arg8[%swap3A_189, %swap3A_190], %swap3A_193 {strides = array<i32>} : memref<160x64xf32, #tpu.memory_space<vmem>>, vector<1x16xf32>,
      %add3A_194 = arith.constant 1 : i32
      %add3A_195 = arith.addi %add3A_117, %add3A_194 : i32
      %get3A_196 = arith.index_cast %add3A_195 : i32 to index
      %get3A_197 = arith.constant 32 : index
      %get3A_198 = tpu.vector_load %arg6[%get3A_196, %get3A_197] {strides = array<i32>} : memref<160x128xf32, #tpu.memory_space<vmem>>, vector<1x16xf32>,
      %get3A_199 = vector.shape_cast %get3A_198 : vector<1x16xf32> to vector<16xf32>
      %add3A_200 = arith.constant 1 : i32
      %add3A_201 = arith.addi %add3A_117, %add3A_200 : i32
      %swap3A_202 = arith.index_cast %add3A_201 : i32 to index
      %swap3A_203 = arith.constant 32 : index
      %swap3A_204 = tpu.vector_load %arg8[%swap3A_202, %swap3A_203] {strides = array<i32>} : memref<160x64xf32, #tpu.memory_space<vmem>>, vector<1x16xf32>,
      %swap3A_205 = vector.shape_cast %swap3A_204 : vector<1x16xf32> to vector<16xf32>
      %swap3A_206 = vector.shape_cast %get3A_199 : vector<16xf32> to vector<1x16xf32>
      tpu.vector_store %arg8[%swap3A_202, %swap3A_203], %swap3A_206 {strides = array<i32>} : memref<160x64xf32, #tpu.memory_space<vmem>>, vector<1x16xf32>,
      %add3A_207 = arith.constant 1 : i32
      %add3A_208 = arith.addi %add3A_117, %add3A_207 : i32
      %get3A_209 = arith.index_cast %add3A_208 : i32 to index
      %get3A_210 = arith.constant 48 : index
      %get3A_211 = tpu.vector_load %arg6[%get3A_209, %get3A_210] {strides = array<i32>} : memref<160x128xf32, #tpu.memory_space<vmem>>, vector<1x16xf32>,
      %get3A_212 = vector.shape_cast %get3A_211 : vector<1x16xf32> to vector<16xf32>
      %add3A_213 = arith.constant 1 : i32
      %add3A_214 = arith.addi %add3A_117, %add3A_213 : i32
      %swap3A_215 = arith.index_cast %add3A_214 : i32 to index
      %swap3A_216 = arith.constant 48 : index
      %swap3A_217 = tpu.vector_load %arg8[%swap3A_215, %swap3A_216] {strides = array<i32>} : memref<160x64xf32, #tpu.memory_space<vmem>>, vector<1x16xf32>,
      %swap3A_218 = vector.shape_cast %swap3A_217 : vector<1x16xf32> to vector<16xf32>
      %swap3A_219 = vector.shape_cast %get3A_212 : vector<16xf32> to vector<1x16xf32>
      tpu.vector_store %arg8[%swap3A_215, %swap3A_216], %swap3A_219 {strides = array<i32>} : memref<160x64xf32, #tpu.memory_space<vmem>>, vector<1x16xf32>,
      %add3A_220 = arith.constant 2 : i32
      %add3A_221 = arith.addi %add3A_117, %add3A_220 : i32
      %get3A_222 = arith.index_cast %add3A_221 : i32 to index
      %get3A_223 = arith.constant 0 : index
      %get3A_224 = tpu.vector_load %arg6[%get3A_222, %get3A_223] {strides = array<i32>} : memref<160x128xf32, #tpu.memory_space<vmem>>, vector<1x16xf32>,
      %get3A_225 = vector.shape_cast %get3A_224 : vector<1x16xf32> to vector<16xf32>
      %add3A_226 = arith.constant 2 : i32
      %add3A_227 = arith.addi %add3A_117, %add3A_226 : i32
      %swap3A_228 = arith.index_cast %add3A_227 : i32 to index
      %swap3A_229 = arith.constant 0 : index
      %swap3A_230 = tpu.vector_load %arg8[%swap3A_228, %swap3A_229] {strides = array<i32>} : memref<160x64xf32, #tpu.memory_space<vmem>>, vector<1x16xf32>,
      %swap3A_231 = vector.shape_cast %swap3A_230 : vector<1x16xf32> to vector<16xf32>
      %swap3A_232 = vector.shape_cast %get3A_225 : vector<16xf32> to vector<1x16xf32>
      tpu.vector_store %arg8[%swap3A_228, %swap3A_229], %swap3A_232 {strides = array<i32>} : memref<160x64xf32, #tpu.memory_space<vmem>>, vector<1x16xf32>,
      %add3A_233 = arith.constant 2 : i32
      %add3A_234 = arith.addi %add3A_117, %add3A_233 : i32
      %get3A_235 = arith.index_cast %add3A_234 : i32 to index
      %get3A_236 = arith.constant 16 : index
      %get3A_237 = tpu.vector_load %arg6[%get3A_235, %get3A_236] {strides = array<i32>} : memref<160x128xf32, #tpu.memory_space<vmem>>, vector<1x16xf32>,
      %get3A_238 = vector.shape_cast %get3A_237 : vector<1x16xf32> to vector<16xf32>
      %add3A_239 = arith.constant 2 : i32
      %add3A_240 = arith.addi %add3A_117, %add3A_239 : i32
      %swap3A_241 = arith.index_cast %add3A_240 : i32 to index
      %swap3A_242 = arith.constant 16 : index
      %swap3A_243 = tpu.vector_load %arg8[%swap3A_241, %swap3A_242] {strides = array<i32>} : memref<160x64xf32, #tpu.memory_space<vmem>>, vector<1x16xf32>,
      %swap3A_244 = vector.shape_cast %swap3A_243 : vector<1x16xf32> to vector<16xf32>
      %swap3A_245 = vector.shape_cast %get3A_238 : vector<16xf32> to vector<1x16xf32>
      tpu.vector_store %arg8[%swap3A_241, %swap3A_242], %swap3A_245 {strides = array<i32>} : memref<160x64xf32, #tpu.memory_space<vmem>>, vector<1x16xf32>,
      %add3A_246 = arith.constant 2 : i32
      %add3A_247 = arith.addi %add3A_117, %add3A_246 : i32
      %get3A_248 = arith.index_cast %add3A_247 : i32 to index
      %get3A_249 = arith.constant 32 : index
      %get3A_250 = tpu.vector_load %arg6[%get3A_248, %get3A_249] {strides = array<i32>} : memref<160x128xf32, #tpu.memory_space<vmem>>, vector<1x16xf32>,
      %get3A_251 = vector.shape_cast %get3A_250 : vector<1x16xf32> to vector<16xf32>
      %add3A_252 = arith.constant 2 : i32
      %add3A_253 = arith.addi %add3A_117, %add3A_252 : i32
      %swap3A_254 = arith.index_cast %add3A_253 : i32 to index
      %swap3A_255 = arith.constant 32 : index
      %swap3A_256 = tpu.vector_load %arg8[%swap3A_254, %swap3A_255] {strides = array<i32>} : memref<160x64xf32, #tpu.memory_space<vmem>>, vector<1x16xf32>,
      %swap3A_257 = vector.shape_cast %swap3A_256 : vector<1x16xf32> to vector<16xf32>
      %swap3A_258 = vector.shape_cast %get3A_251 : vector<16xf32> to vector<1x16xf32>
      tpu.vector_store %arg8[%swap3A_254, %swap3A_255], %swap3A_258 {strides = array<i32>} : memref<160x64xf32, #tpu.memory_space<vmem>>, vector<1x16xf32>,
      %add3A_259 = arith.constant 2 : i32
      %add3A_260 = arith.addi %add3A_117, %add3A_259 : i32
      %get3A_261 = arith.index_cast %add3A_260 : i32 to index
      %get3A_262 = arith.constant 48 : index
      %get3A_263 = tpu.vector_load %arg6[%get3A_261, %get3A_262] {strides = array<i32>} : memref<160x128xf32, #tpu.memory_space<vmem>>, vector<1x16xf32>,
      %get3A_264 = vector.shape_cast %get3A_263 : vector<1x16xf32> to vector<16xf32>
      %add3A_265 = arith.constant 2 : i32
      %add3A_266 = arith.addi %add3A_117, %add3A_265 : i32
      %swap3A_267 = arith.index_cast %add3A_266 : i32 to index
      %swap3A_268 = arith.constant 48 : index
      %swap3A_269 = tpu.vector_load %arg8[%swap3A_267, %swap3A_268] {strides = array<i32>} : memref<160x64xf32, #tpu.memory_space<vmem>>, vector<1x16xf32>,
      %swap3A_270 = vector.shape_cast %swap3A_269 : vector<1x16xf32> to vector<16xf32>
      %swap3A_271 = vector.shape_cast %get3A_264 : vector<16xf32> to vector<1x16xf32>
      tpu.vector_store %arg8[%swap3A_267, %swap3A_268], %swap3A_271 {strides = array<i32>} : memref<160x64xf32, #tpu.memory_space<vmem>>, vector<1x16xf32>,
      %add3A_272 = arith.constant 3 : i32
      %add3A_273 = arith.addi %add3A_117, %add3A_272 : i32
      %get3A_274 = arith.index_cast %add3A_273 : i32 to index
      %get3A_275 = arith.constant 0 : index
      %get3A_276 = tpu.vector_load %arg6[%get3A_274, %get3A_275] {strides = array<i32>} : memref<160x128xf32, #tpu.memory_space<vmem>>, vector<1x16xf32>,
      %get3A_277 = vector.shape_cast %get3A_276 : vector<1x16xf32> to vector<16xf32>
      %add3A_278 = arith.constant 3 : i32
      %add3A_279 = arith.addi %add3A_117, %add3A_278 : i32
      %swap3A_280 = arith.index_cast %add3A_279 : i32 to index
      %swap3A_281 = arith.constant 0 : index
      %swap3A_282 = tpu.vector_load %arg8[%swap3A_280, %swap3A_281] {strides = array<i32>} : memref<160x64xf32, #tpu.memory_space<vmem>>, vector<1x16xf32>,
      %swap3A_283 = vector.shape_cast %swap3A_282 : vector<1x16xf32> to vector<16xf32>
      %swap3A_284 = vector.shape_cast %get3A_277 : vector<16xf32> to vector<1x16xf32>
      tpu.vector_store %arg8[%swap3A_280, %swap3A_281], %swap3A_284 {strides = array<i32>} : memref<160x64xf32, #tpu.memory_space<vmem>>, vector<1x16xf32>,
      %add3A_285 = arith.constant 3 : i32
      %add3A_286 = arith.addi %add3A_117, %add3A_285 : i32
      %get3A_287 = arith.index_cast %add3A_286 : i32 to index
      %get3A_288 = arith.constant 16 : index
      %get3A_289 = tpu.vector_load %arg6[%get3A_287, %get3A_288] {strides = array<i32>} : memref<160x128xf32, #tpu.memory_space<vmem>>, vector<1x16xf32>,
      %get3A_290 = vector.shape_cast %get3A_289 : vector<1x16xf32> to vector<16xf32>
      %add3A_291 = arith.constant 3 : i32
      %add3A_292 = arith.addi %add3A_117, %add3A_291 : i32
      %swap3A_293 = arith.index_cast %add3A_292 : i32 to index
      %swap3A_294 = arith.constant 16 : index
      %swap3A_295 = tpu.vector_load %arg8[%swap3A_293, %swap3A_294] {strides = array<i32>} : memref<160x64xf32, #tpu.memory_space<vmem>>, vector<1x16xf32>,
      %swap3A_296 = vector.shape_cast %swap3A_295 : vector<1x16xf32> to vector<16xf32>
      %swap3A_297 = vector.shape_cast %get3A_290 : vector<16xf32> to vector<1x16xf32>
      tpu.vector_store %arg8[%swap3A_293, %swap3A_294], %swap3A_297 {strides = array<i32>} : memref<160x64xf32, #tpu.memory_space<vmem>>, vector<1x16xf32>,
      %add3A_298 = arith.constant 3 : i32
      %add3A_299 = arith.addi %add3A_117, %add3A_298 : i32
      %get3A_300 = arith.index_cast %add3A_299 : i32 to index
      %get3A_301 = arith.constant 32 : index
      %get3A_302 = tpu.vector_load %arg6[%get3A_300, %get3A_301] {strides = array<i32>} : memref<160x128xf32, #tpu.memory_space<vmem>>, vector<1x16xf32>,
      %get3A_303 = vector.shape_cast %get3A_302 : vector<1x16xf32> to vector<16xf32>
      %add3A_304 = arith.constant 3 : i32
      %add3A_305 = arith.addi %add3A_117, %add3A_304 : i32
      %swap3A_306 = arith.index_cast %add3A_305 : i32 to index
      %swap3A_307 = arith.constant 32 : index
      %swap3A_308 = tpu.vector_load %arg8[%swap3A_306, %swap3A_307] {strides = array<i32>} : memref<160x64xf32, #tpu.memory_space<vmem>>, vector<1x16xf32>,
      %swap3A_309 = vector.shape_cast %swap3A_308 : vector<1x16xf32> to vector<16xf32>
      %swap3A_310 = vector.shape_cast %get3A_303 : vector<16xf32> to vector<1x16xf32>
      tpu.vector_store %arg8[%swap3A_306, %swap3A_307], %swap3A_310 {strides = array<i32>} : memref<160x64xf32, #tpu.memory_space<vmem>>, vector<1x16xf32>,
      %add3A_311 = arith.constant 3 : i32
      %add3A_312 = arith.addi %add3A_117, %add3A_311 : i32
      %get3A_313 = arith.index_cast %add3A_312 : i32 to index
      %get3A_314 = arith.constant 48 : index
      %get3A_315 = tpu.vector_load %arg6[%get3A_313, %get3A_314] {strides = array<i32>} : memref<160x128xf32, #tpu.memory_space<vmem>>, vector<1x16xf32>,
      %get3A_316 = vector.shape_cast %get3A_315 : vector<1x16xf32> to vector<16xf32>
      %add3A_317 = arith.constant 3 : i32
      %add3A_318 = arith.addi %add3A_117, %add3A_317 : i32
      %swap3A_319 = arith.index_cast %add3A_318 : i32 to index
      %swap3A_320 = arith.constant 48 : index
      %swap3A_321 = tpu.vector_load %arg8[%swap3A_319, %swap3A_320] {strides = array<i32>} : memref<160x64xf32, #tpu.memory_space<vmem>>, vector<1x16xf32>,
      %swap3A_322 = vector.shape_cast %swap3A_321 : vector<1x16xf32> to vector<16xf32>
      %swap3A_323 = vector.shape_cast %get3A_316 : vector<16xf32> to vector<1x16xf32>
      tpu.vector_store %arg8[%swap3A_319, %swap3A_320], %swap3A_323 {strides = array<i32>} : memref<160x64xf32, #tpu.memory_space<vmem>>, vector<1x16xf32>,
    }
    %scan3A_72 = arith.constant 40 : i32
    %add3A_73 = arith.constant 25280 : i32
    %add3A_74 = arith.addi %mul3A_2, %add3A_73 : i32
    %dma_start3A_75 = arith.constant 0 : i32
    %dma_start3A_76 = tpu.memref_slice %arg4[%add3A_74, %dma_start3A_75] : memref<819200x64xf32, #tpu.memory_space<hbm>> -> memref<160x64xf32, #tpu.memory_space<hbm>>
    %dma_start3A_77 = arith.constant 0 : i32
    %dma_start3A_78 = tpu.memref_slice %arg4[%add3A_74, %dma_start3A_77] : memref<819200x64xf32, #tpu.memory_space<hbm>> -> memref<160x64xf32, #tpu.memory_space<hbm>>
    tpu.enqueue_dma source(%arg8 : memref<160x64xf32, #tpu.memory_space<vmem>>) target(%dma_start3A_78 : memref<160x64xf32, #tpu.memory_space<hbm>>) target_semaphore(%arg12 : memref<!tpu.dma_semaphore, #tpu.memory_space<semaphore_mem>>)
    %dma_wait3A_79 = arith.constant 0 : i32
    %dma_wait3A_80 = tpu.memref_slice %arg5[%dma_wait3A_79] : memref<25600xi32, #tpu.memory_space<vmem>> -> memref<160xi32, #tpu.memory_space<vmem>>
    %dma_wait3A_81 = arith.constant 0 : i32
    %dma_wait3A_82 = arith.constant 0 : i32
    %dma_wait3A_83 = tpu.memref_slice %arg3[%dma_wait3A_81, %dma_wait3A_82] : memref<100000x128xf32, #tpu.memory_space<hbm>> -> memref<100000x128xf32, #tpu.memory_space<hbm>>
    tpu.wait_indirect_dma semaphore(%arg11 : memref<!tpu.dma_semaphore, #tpu.memory_space<semaphore_mem>>) src(%dma_wait3A_83 : memref<100000x128xf32, #tpu.memory_space<hbm>>) dst(%arg7 : memref<160x128xf32, #tpu.memory_space<vmem>>)
    %add3A_84 = arith.constant 25120 : i32
    %add3A_85 = arith.addi %mul3A_2, %add3A_84 : i32
    %dma_wait3A_86 = arith.constant 0 : i32
    %dma_wait3A_87 = tpu.memref_slice %arg4[%add3A_85, %dma_wait3A_86] : memref<819200x64xf32, #tpu.memory_space<hbm>> -> memref<160x64xf32, #tpu.memory_space<hbm>>
    %dma_wait3A_88 = arith.constant 0 : i32
    %dma_wait3A_89 = tpu.memref_slice %arg4[%add3A_85, %dma_wait3A_88] : memref<819200x64xf32, #tpu.memory_space<hbm>> -> memref<160x64xf32, #tpu.memory_space<hbm>>
    tpu.wait_dma2 semaphore(%arg13 : memref<!tpu.dma_semaphore, #tpu.memory_space<semaphore_mem>>) src(%arg9 : memref<160x64xf32, #tpu.memory_space<vmem>>) dst(%dma_wait3A_89 : memref<160x64xf32, #tpu.memory_space<hbm>>)
    %scan3A_90 = arith.constant 0 : i32
    %scan3A_91 = arith.constant 40 : i32
    %scan3A_92 = arith.addi %scan3A_90, %scan3A_91 : i32
    %scan3A_93 = arith.constant 1 : i32
    scf.for %scan3A_113 = %scan3A_90 to %scan3A_92 step %scan3A_93  : i32 {
      %mul3A_114 = arith.constant 4 : i32
      %mul3A_115 = arith.muli %scan3A_113, %mul3A_114 : i32
      %add3A_116 = arith.constant 0 : i32
      %add3A_117 = arith.addi %add3A_116, %mul3A_115 : i32
      %add3A_118 = arith.constant 0 : i32
      %add3A_119 = arith.addi %add3A_117, %add3A_118 : i32
      %get3A = arith.index_cast %add3A_119 : i32 to index
      %get3A_120 = arith.constant 0 : index
      %get3A_121 = tpu.vector_load %arg7[%get3A, %get3A_120] {strides = array<i32>} : memref<160x128xf32, #tpu.memory_space<vmem>>, vector<1x16xf32>,
      %get3A_122 = vector.shape_cast %get3A_121 : vector<1x16xf32> to vector<16xf32>
      %add3A_123 = arith.constant 0 : i32
      %add3A_124 = arith.addi %add3A_117, %add3A_123 : i32
      %swap3A = arith.index_cast %add3A_124 : i32 to index
      %swap3A_125 = arith.constant 0 : index
      %swap3A_126 = tpu.vector_load %arg9[%swap3A, %swap3A_125] {strides = array<i32>} : memref<160x64xf32, #tpu.memory_space<vmem>>, vector<1x16xf32>,
      %swap3A_127 = vector.shape_cast %swap3A_126 : vector<1x16xf32> to vector<16xf32>
      %swap3A_128 = vector.shape_cast %get3A_122 : vector<16xf32> to vector<1x16xf32>
      tpu.vector_store %arg9[%swap3A, %swap3A_125], %swap3A_128 {strides = array<i32>} : memref<160x64xf32, #tpu.memory_space<vmem>>, vector<1x16xf32>,
      %add3A_129 = arith.constant 0 : i32
      %add3A_130 = arith.addi %add3A_117, %add3A_129 : i32
      %get3A_131 = arith.index_cast %add3A_130 : i32 to index
      %get3A_132 = arith.constant 16 : index
      %get3A_133 = tpu.vector_load %arg7[%get3A_131, %get3A_132] {strides = array<i32>} : memref<160x128xf32, #tpu.memory_space<vmem>>, vector<1x16xf32>,
      %get3A_134 = vector.shape_cast %get3A_133 : vector<1x16xf32> to vector<16xf32>
      %add3A_135 = arith.constant 0 : i32
      %add3A_136 = arith.addi %add3A_117, %add3A_135 : i32
      %swap3A_137 = arith.index_cast %add3A_136 : i32 to index
      %swap3A_138 = arith.constant 16 : index
      %swap3A_139 = tpu.vector_load %arg9[%swap3A_137, %swap3A_138] {strides = array<i32>} : memref<160x64xf32, #tpu.memory_space<vmem>>, vector<1x16xf32>,
      %swap3A_140 = vector.shape_cast %swap3A_139 : vector<1x16xf32> to vector<16xf32>
      %swap3A_141 = vector.shape_cast %get3A_134 : vector<16xf32> to vector<1x16xf32>
      tpu.vector_store %arg9[%swap3A_137, %swap3A_138], %swap3A_141 {strides = array<i32>} : memref<160x64xf32, #tpu.memory_space<vmem>>, vector<1x16xf32>,
      %add3A_142 = arith.constant 0 : i32
      %add3A_143 = arith.addi %add3A_117, %add3A_142 : i32
      %get3A_144 = arith.index_cast %add3A_143 : i32 to index
      %get3A_145 = arith.constant 32 : index
      %get3A_146 = tpu.vector_load %arg7[%get3A_144, %get3A_145] {strides = array<i32>} : memref<160x128xf32, #tpu.memory_space<vmem>>, vector<1x16xf32>,
      %get3A_147 = vector.shape_cast %get3A_146 : vector<1x16xf32> to vector<16xf32>
      %add3A_148 = arith.constant 0 : i32
      %add3A_149 = arith.addi %add3A_117, %add3A_148 : i32
      %swap3A_150 = arith.index_cast %add3A_149 : i32 to index
      %swap3A_151 = arith.constant 32 : index
      %swap3A_152 = tpu.vector_load %arg9[%swap3A_150, %swap3A_151] {strides = array<i32>} : memref<160x64xf32, #tpu.memory_space<vmem>>, vector<1x16xf32>,
      %swap3A_153 = vector.shape_cast %swap3A_152 : vector<1x16xf32> to vector<16xf32>
      %swap3A_154 = vector.shape_cast %get3A_147 : vector<16xf32> to vector<1x16xf32>
      tpu.vector_store %arg9[%swap3A_150, %swap3A_151], %swap3A_154 {strides = array<i32>} : memref<160x64xf32, #tpu.memory_space<vmem>>, vector<1x16xf32>,
      %add3A_155 = arith.constant 0 : i32
      %add3A_156 = arith.addi %add3A_117, %add3A_155 : i32
      %get3A_157 = arith.index_cast %add3A_156 : i32 to index
      %get3A_158 = arith.constant 48 : index
      %get3A_159 = tpu.vector_load %arg7[%get3A_157, %get3A_158] {strides = array<i32>} : memref<160x128xf32, #tpu.memory_space<vmem>>, vector<1x16xf32>,
      %get3A_160 = vector.shape_cast %get3A_159 : vector<1x16xf32> to vector<16xf32>
      %add3A_161 = arith.constant 0 : i32
      %add3A_162 = arith.addi %add3A_117, %add3A_161 : i32
      %swap3A_163 = arith.index_cast %add3A_162 : i32 to index
      %swap3A_164 = arith.constant 48 : index
      %swap3A_165 = tpu.vector_load %arg9[%swap3A_163, %swap3A_164] {strides = array<i32>} : memref<160x64xf32, #tpu.memory_space<vmem>>, vector<1x16xf32>,
      %swap3A_166 = vector.shape_cast %swap3A_165 : vector<1x16xf32> to vector<16xf32>
      %swap3A_167 = vector.shape_cast %get3A_160 : vector<16xf32> to vector<1x16xf32>
      tpu.vector_store %arg9[%swap3A_163, %swap3A_164], %swap3A_167 {strides = array<i32>} : memref<160x64xf32, #tpu.memory_space<vmem>>, vector<1x16xf32>,
      %add3A_168 = arith.constant 1 : i32
      %add3A_169 = arith.addi %add3A_117, %add3A_168 : i32
      %get3A_170 = arith.index_cast %add3A_169 : i32 to index
      %get3A_171 = arith.constant 0 : index
      %get3A_172 = tpu.vector_load %arg7[%get3A_170, %get3A_171] {strides = array<i32>} : memref<160x128xf32, #tpu.memory_space<vmem>>, vector<1x16xf32>,
      %get3A_173 = vector.shape_cast %get3A_172 : vector<1x16xf32> to vector<16xf32>
      %add3A_174 = arith.constant 1 : i32
      %add3A_175 = arith.addi %add3A_117, %add3A_174 : i32
      %swap3A_176 = arith.index_cast %add3A_175 : i32 to index
      %swap3A_177 = arith.constant 0 : index
      %swap3A_178 = tpu.vector_load %arg9[%swap3A_176, %swap3A_177] {strides = array<i32>} : memref<160x64xf32, #tpu.memory_space<vmem>>, vector<1x16xf32>,
      %swap3A_179 = vector.shape_cast %swap3A_178 : vector<1x16xf32> to vector<16xf32>
      %swap3A_180 = vector.shape_cast %get3A_173 : vector<16xf32> to vector<1x16xf32>
      tpu.vector_store %arg9[%swap3A_176, %swap3A_177], %swap3A_180 {strides = array<i32>} : memref<160x64xf32, #tpu.memory_space<vmem>>, vector<1x16xf32>,
      %add3A_181 = arith.constant 1 : i32
      %add3A_182 = arith.addi %add3A_117, %add3A_181 : i32
      %get3A_183 = arith.index_cast %add3A_182 : i32 to index
      %get3A_184 = arith.constant 16 : index
      %get3A_185 = tpu.vector_load %arg7[%get3A_183, %get3A_184] {strides = array<i32>} : memref<160x128xf32, #tpu.memory_space<vmem>>, vector<1x16xf32>,
      %get3A_186 = vector.shape_cast %get3A_185 : vector<1x16xf32> to vector<16xf32>
      %add3A_187 = arith.constant 1 : i32
      %add3A_188 = arith.addi %add3A_117, %add3A_187 : i32
      %swap3A_189 = arith.index_cast %add3A_188 : i32 to index
      %swap3A_190 = arith.constant 16 : index
      %swap3A_191 = tpu.vector_load %arg9[%swap3A_189, %swap3A_190] {strides = array<i32>} : memref<160x64xf32, #tpu.memory_space<vmem>>, vector<1x16xf32>,
      %swap3A_192 = vector.shape_cast %swap3A_191 : vector<1x16xf32> to vector<16xf32>
      %swap3A_193 = vector.shape_cast %get3A_186 : vector<16xf32> to vector<1x16xf32>
      tpu.vector_store %arg9[%swap3A_189, %swap3A_190], %swap3A_193 {strides = array<i32>} : memref<160x64xf32, #tpu.memory_space<vmem>>, vector<1x16xf32>,
      %add3A_194 = arith.constant 1 : i32
      %add3A_195 = arith.addi %add3A_117, %add3A_194 : i32
      %get3A_196 = arith.index_cast %add3A_195 : i32 to index
      %get3A_197 = arith.constant 32 : index
      %get3A_198 = tpu.vector_load %arg7[%get3A_196, %get3A_197] {strides = array<i32>} : memref<160x128xf32, #tpu.memory_space<vmem>>, vector<1x16xf32>,
      %get3A_199 = vector.shape_cast %get3A_198 : vector<1x16xf32> to vector<16xf32>
      %add3A_200 = arith.constant 1 : i32
      %add3A_201 = arith.addi %add3A_117, %add3A_200 : i32
      %swap3A_202 = arith.index_cast %add3A_201 : i32 to index
      %swap3A_203 = arith.constant 32 : index
      %swap3A_204 = tpu.vector_load %arg9[%swap3A_202, %swap3A_203] {strides = array<i32>} : memref<160x64xf32, #tpu.memory_space<vmem>>, vector<1x16xf32>,
      %swap3A_205 = vector.shape_cast %swap3A_204 : vector<1x16xf32> to vector<16xf32>
      %swap3A_206 = vector.shape_cast %get3A_199 : vector<16xf32> to vector<1x16xf32>
      tpu.vector_store %arg9[%swap3A_202, %swap3A_203], %swap3A_206 {strides = array<i32>} : memref<160x64xf32, #tpu.memory_space<vmem>>, vector<1x16xf32>,
      %add3A_207 = arith.constant 1 : i32
      %add3A_208 = arith.addi %add3A_117, %add3A_207 : i32
      %get3A_209 = arith.index_cast %add3A_208 : i32 to index
      %get3A_210 = arith.constant 48 : index
      %get3A_211 = tpu.vector_load %arg7[%get3A_209, %get3A_210] {strides = array<i32>} : memref<160x128xf32, #tpu.memory_space<vmem>>, vector<1x16xf32>,
      %get3A_212 = vector.shape_cast %get3A_211 : vector<1x16xf32> to vector<16xf32>
      %add3A_213 = arith.constant 1 : i32
      %add3A_214 = arith.addi %add3A_117, %add3A_213 : i32
      %swap3A_215 = arith.index_cast %add3A_214 : i32 to index
      %swap3A_216 = arith.constant 48 : index
      %swap3A_217 = tpu.vector_load %arg9[%swap3A_215, %swap3A_216] {strides = array<i32>} : memref<160x64xf32, #tpu.memory_space<vmem>>, vector<1x16xf32>,
      %swap3A_218 = vector.shape_cast %swap3A_217 : vector<1x16xf32> to vector<16xf32>
      %swap3A_219 = vector.shape_cast %get3A_212 : vector<16xf32> to vector<1x16xf32>
      tpu.vector_store %arg9[%swap3A_215, %swap3A_216], %swap3A_219 {strides = array<i32>} : memref<160x64xf32, #tpu.memory_space<vmem>>, vector<1x16xf32>,
      %add3A_220 = arith.constant 2 : i32
      %add3A_221 = arith.addi %add3A_117, %add3A_220 : i32
      %get3A_222 = arith.index_cast %add3A_221 : i32 to index
      %get3A_223 = arith.constant 0 : index
      %get3A_224 = tpu.vector_load %arg7[%get3A_222, %get3A_223] {strides = array<i32>} : memref<160x128xf32, #tpu.memory_space<vmem>>, vector<1x16xf32>,
      %get3A_225 = vector.shape_cast %get3A_224 : vector<1x16xf32> to vector<16xf32>
      %add3A_226 = arith.constant 2 : i32
      %add3A_227 = arith.addi %add3A_117, %add3A_226 : i32
      %swap3A_228 = arith.index_cast %add3A_227 : i32 to index
      %swap3A_229 = arith.constant 0 : index
      %swap3A_230 = tpu.vector_load %arg9[%swap3A_228, %swap3A_229] {strides = array<i32>} : memref<160x64xf32, #tpu.memory_space<vmem>>, vector<1x16xf32>,
      %swap3A_231 = vector.shape_cast %swap3A_230 : vector<1x16xf32> to vector<16xf32>
      %swap3A_232 = vector.shape_cast %get3A_225 : vector<16xf32> to vector<1x16xf32>
      tpu.vector_store %arg9[%swap3A_228, %swap3A_229], %swap3A_232 {strides = array<i32>} : memref<160x64xf32, #tpu.memory_space<vmem>>, vector<1x16xf32>,
      %add3A_233 = arith.constant 2 : i32
      %add3A_234 = arith.addi %add3A_117, %add3A_233 : i32
      %get3A_235 = arith.index_cast %add3A_234 : i32 to index
      %get3A_236 = arith.constant 16 : index
      %get3A_237 = tpu.vector_load %arg7[%get3A_235, %get3A_236] {strides = array<i32>} : memref<160x128xf32, #tpu.memory_space<vmem>>, vector<1x16xf32>,
      %get3A_238 = vector.shape_cast %get3A_237 : vector<1x16xf32> to vector<16xf32>
      %add3A_239 = arith.constant 2 : i32
      %add3A_240 = arith.addi %add3A_117, %add3A_239 : i32
      %swap3A_241 = arith.index_cast %add3A_240 : i32 to index
      %swap3A_242 = arith.constant 16 : index
      %swap3A_243 = tpu.vector_load %arg9[%swap3A_241, %swap3A_242] {strides = array<i32>} : memref<160x64xf32, #tpu.memory_space<vmem>>, vector<1x16xf32>,
      %swap3A_244 = vector.shape_cast %swap3A_243 : vector<1x16xf32> to vector<16xf32>
      %swap3A_245 = vector.shape_cast %get3A_238 : vector<16xf32> to vector<1x16xf32>
      tpu.vector_store %arg9[%swap3A_241, %swap3A_242], %swap3A_245 {strides = array<i32>} : memref<160x64xf32, #tpu.memory_space<vmem>>, vector<1x16xf32>,
      %add3A_246 = arith.constant 2 : i32
      %add3A_247 = arith.addi %add3A_117, %add3A_246 : i32
      %get3A_248 = arith.index_cast %add3A_247 : i32 to index
      %get3A_249 = arith.constant 32 : index
      %get3A_250 = tpu.vector_load %arg7[%get3A_248, %get3A_249] {strides = array<i32>} : memref<160x128xf32, #tpu.memory_space<vmem>>, vector<1x16xf32>,
      %get3A_251 = vector.shape_cast %get3A_250 : vector<1x16xf32> to vector<16xf32>
      %add3A_252 = arith.constant 2 : i32
      %add3A_253 = arith.addi %add3A_117, %add3A_252 : i32
      %swap3A_254 = arith.index_cast %add3A_253 : i32 to index
      %swap3A_255 = arith.constant 32 : index
      %swap3A_256 = tpu.vector_load %arg9[%swap3A_254, %swap3A_255] {strides = array<i32>} : memref<160x64xf32, #tpu.memory_space<vmem>>, vector<1x16xf32>,
      %swap3A_257 = vector.shape_cast %swap3A_256 : vector<1x16xf32> to vector<16xf32>
      %swap3A_258 = vector.shape_cast %get3A_251 : vector<16xf32> to vector<1x16xf32>
      tpu.vector_store %arg9[%swap3A_254, %swap3A_255], %swap3A_258 {strides = array<i32>} : memref<160x64xf32, #tpu.memory_space<vmem>>, vector<1x16xf32>,
      %add3A_259 = arith.constant 2 : i32
      %add3A_260 = arith.addi %add3A_117, %add3A_259 : i32
      %get3A_261 = arith.index_cast %add3A_260 : i32 to index
      %get3A_262 = arith.constant 48 : index
      %get3A_263 = tpu.vector_load %arg7[%get3A_261, %get3A_262] {strides = array<i32>} : memref<160x128xf32, #tpu.memory_space<vmem>>, vector<1x16xf32>,
      %get3A_264 = vector.shape_cast %get3A_263 : vector<1x16xf32> to vector<16xf32>
      %add3A_265 = arith.constant 2 : i32
      %add3A_266 = arith.addi %add3A_117, %add3A_265 : i32
      %swap3A_267 = arith.index_cast %add3A_266 : i32 to index
      %swap3A_268 = arith.constant 48 : index
      %swap3A_269 = tpu.vector_load %arg9[%swap3A_267, %swap3A_268] {strides = array<i32>} : memref<160x64xf32, #tpu.memory_space<vmem>>, vector<1x16xf32>,
      %swap3A_270 = vector.shape_cast %swap3A_269 : vector<1x16xf32> to vector<16xf32>
      %swap3A_271 = vector.shape_cast %get3A_264 : vector<16xf32> to vector<1x16xf32>
      tpu.vector_store %arg9[%swap3A_267, %swap3A_268], %swap3A_271 {strides = array<i32>} : memref<160x64xf32, #tpu.memory_space<vmem>>, vector<1x16xf32>,
      %add3A_272 = arith.constant 3 : i32
      %add3A_273 = arith.addi %add3A_117, %add3A_272 : i32
      %get3A_274 = arith.index_cast %add3A_273 : i32 to index
      %get3A_275 = arith.constant 0 : index
      %get3A_276 = tpu.vector_load %arg7[%get3A_274, %get3A_275] {strides = array<i32>} : memref<160x128xf32, #tpu.memory_space<vmem>>, vector<1x16xf32>,
      %get3A_277 = vector.shape_cast %get3A_276 : vector<1x16xf32> to vector<16xf32>
      %add3A_278 = arith.constant 3 : i32
      %add3A_279 = arith.addi %add3A_117, %add3A_278 : i32
      %swap3A_280 = arith.index_cast %add3A_279 : i32 to index
      %swap3A_281 = arith.constant 0 : index
      %swap3A_282 = tpu.vector_load %arg9[%swap3A_280, %swap3A_281] {strides = array<i32>} : memref<160x64xf32, #tpu.memory_space<vmem>>, vector<1x16xf32>,
      %swap3A_283 = vector.shape_cast %swap3A_282 : vector<1x16xf32> to vector<16xf32>
      %swap3A_284 = vector.shape_cast %get3A_277 : vector<16xf32> to vector<1x16xf32>
      tpu.vector_store %arg9[%swap3A_280, %swap3A_281], %swap3A_284 {strides = array<i32>} : memref<160x64xf32, #tpu.memory_space<vmem>>, vector<1x16xf32>,
      %add3A_285 = arith.constant 3 : i32
      %add3A_286 = arith.addi %add3A_117, %add3A_285 : i32
      %get3A_287 = arith.index_cast %add3A_286 : i32 to index
      %get3A_288 = arith.constant 16 : index
      %get3A_289 = tpu.vector_load %arg7[%get3A_287, %get3A_288] {strides = array<i32>} : memref<160x128xf32, #tpu.memory_space<vmem>>, vector<1x16xf32>,
      %get3A_290 = vector.shape_cast %get3A_289 : vector<1x16xf32> to vector<16xf32>
      %add3A_291 = arith.constant 3 : i32
      %add3A_292 = arith.addi %add3A_117, %add3A_291 : i32
      %swap3A_293 = arith.index_cast %add3A_292 : i32 to index
      %swap3A_294 = arith.constant 16 : index
      %swap3A_295 = tpu.vector_load %arg9[%swap3A_293, %swap3A_294] {strides = array<i32>} : memref<160x64xf32, #tpu.memory_space<vmem>>, vector<1x16xf32>,
      %swap3A_296 = vector.shape_cast %swap3A_295 : vector<1x16xf32> to vector<16xf32>
      %swap3A_297 = vector.shape_cast %get3A_290 : vector<16xf32> to vector<1x16xf32>
      tpu.vector_store %arg9[%swap3A_293, %swap3A_294], %swap3A_297 {strides = array<i32>} : memref<160x64xf32, #tpu.memory_space<vmem>>, vector<1x16xf32>,
      %add3A_298 = arith.constant 3 : i32
      %add3A_299 = arith.addi %add3A_117, %add3A_298 : i32
      %get3A_300 = arith.index_cast %add3A_299 : i32 to index
      %get3A_301 = arith.constant 32 : index
      %get3A_302 = tpu.vector_load %arg7[%get3A_300, %get3A_301] {strides = array<i32>} : memref<160x128xf32, #tpu.memory_space<vmem>>, vector<1x16xf32>,
      %get3A_303 = vector.shape_cast %get3A_302 : vector<1x16xf32> to vector<16xf32>
      %add3A_304 = arith.constant 3 : i32
      %add3A_305 = arith.addi %add3A_117, %add3A_304 : i32
      %swap3A_306 = arith.index_cast %add3A_305 : i32 to index
      %swap3A_307 = arith.constant 32 : index
      %swap3A_308 = tpu.vector_load %arg9[%swap3A_306, %swap3A_307] {strides = array<i32>} : memref<160x64xf32, #tpu.memory_space<vmem>>, vector<1x16xf32>,
      %swap3A_309 = vector.shape_cast %swap3A_308 : vector<1x16xf32> to vector<16xf32>
      %swap3A_310 = vector.shape_cast %get3A_303 : vector<16xf32> to vector<1x16xf32>
      tpu.vector_store %arg9[%swap3A_306, %swap3A_307], %swap3A_310 {strides = array<i32>} : memref<160x64xf32, #tpu.memory_space<vmem>>, vector<1x16xf32>,
      %add3A_311 = arith.constant 3 : i32
      %add3A_312 = arith.addi %add3A_117, %add3A_311 : i32
      %get3A_313 = arith.index_cast %add3A_312 : i32 to index
      %get3A_314 = arith.constant 48 : index
      %get3A_315 = tpu.vector_load %arg7[%get3A_313, %get3A_314] {strides = array<i32>} : memref<160x128xf32, #tpu.memory_space<vmem>>, vector<1x16xf32>,
      %get3A_316 = vector.shape_cast %get3A_315 : vector<1x16xf32> to vector<16xf32>
      %add3A_317 = arith.constant 3 : i32
      %add3A_318 = arith.addi %add3A_117, %add3A_317 : i32
      %swap3A_319 = arith.index_cast %add3A_318 : i32 to index
      %swap3A_320 = arith.constant 48 : index
      %swap3A_321 = tpu.vector_load %arg9[%swap3A_319, %swap3A_320] {strides = array<i32>} : memref<160x64xf32, #tpu.memory_space<vmem>>, vector<1x16xf32>,
      %swap3A_322 = vector.shape_cast %swap3A_321 : vector<1x16xf32> to vector<16xf32>
      %swap3A_323 = vector.shape_cast %get3A_316 : vector<16xf32> to vector<1x16xf32>
      tpu.vector_store %arg9[%swap3A_319, %swap3A_320], %swap3A_323 {strides = array<i32>} : memref<160x64xf32, #tpu.memory_space<vmem>>, vector<1x16xf32>,
    }
    %scan3A_94 = arith.constant 40 : i32
    %add3A_95 = arith.constant 25440 : i32
    %add3A_96 = arith.addi %mul3A_2, %add3A_95 : i32
    %dma_start3A_97 = arith.constant 0 : i32
    %dma_start3A_98 = tpu.memref_slice %arg4[%add3A_96, %dma_start3A_97] : memref<819200x64xf32, #tpu.memory_space<hbm>> -> memref<160x64xf32, #tpu.memory_space<hbm>>
    %dma_start3A_99 = arith.constant 0 : i32
    %dma_start3A_100 = tpu.memref_slice %arg4[%add3A_96, %dma_start3A_99] : memref<819200x64xf32, #tpu.memory_space<hbm>> -> memref<160x64xf32, #tpu.memory_space<hbm>>
    tpu.enqueue_dma source(%arg9 : memref<160x64xf32, #tpu.memory_space<vmem>>) target(%dma_start3A_100 : memref<160x64xf32, #tpu.memory_space<hbm>>) target_semaphore(%arg13 : memref<!tpu.dma_semaphore, #tpu.memory_space<semaphore_mem>>)
    %add3A_101 = arith.constant 25280 : i32
    %add3A_102 = arith.addi %mul3A_2, %add3A_101 : i32
    %dma_wait3A_103 = arith.constant 0 : i32
    %dma_wait3A_104 = tpu.memref_slice %arg4[%add3A_102, %dma_wait3A_103] : memref<819200x64xf32, #tpu.memory_space<hbm>> -> memref<160x64xf32, #tpu.memory_space<hbm>>
    %dma_wait3A_105 = arith.constant 0 : i32
    %dma_wait3A_106 = tpu.memref_slice %arg4[%add3A_102, %dma_wait3A_105] : memref<819200x64xf32, #tpu.memory_space<hbm>> -> memref<160x64xf32, #tpu.memory_space<hbm>>
    tpu.wait_dma2 semaphore(%arg12 : memref<!tpu.dma_semaphore, #tpu.memory_space<semaphore_mem>>) src(%arg8 : memref<160x64xf32, #tpu.memory_space<vmem>>) dst(%dma_wait3A_106 : memref<160x64xf32, #tpu.memory_space<hbm>>)
    %add3A_107 = arith.constant 25440 : i32
    %add3A_108 = arith.addi %mul3A_2, %add3A_107 : i32
    %dma_wait3A_109 = arith.constant 0 : i32
    %dma_wait3A_110 = tpu.memref_slice %arg4[%add3A_108, %dma_wait3A_109] : memref<819200x64xf32, #tpu.memory_space<hbm>> -> memref<160x64xf32, #tpu.memory_space<hbm>>
    %dma_wait3A_111 = arith.constant 0 : i32
    %dma_wait3A_112 = tpu.memref_slice %arg4[%add3A_108, %dma_wait3A_111] : memref<819200x64xf32, #tpu.memory_space<hbm>> -> memref<160x64xf32, #tpu.memory_space<hbm>>
    tpu.wait_dma2 semaphore(%arg13 : memref<!tpu.dma_semaphore, #tpu.memory_space<semaphore_mem>>) src(%arg9 : memref<160x64xf32, #tpu.memory_space<vmem>>) dst(%dma_wait3A_112 : memref<160x64xf32, #tpu.memory_space<hbm>>)
    return
  }
}

</mosaic_0001>

<sc_bundles>
// kernel: _embed_lookup.3.cloned.1.call-start
scs
__scs_entry_jumppad:
0x0: {  	(pc) =	sbr.rel $0x88, $3  }
0x1: {  	(tag) =	ssettag $0x0;
	lr =	simm.s32 $0x1  }
0x2: {  	[smem:$0x3F9F] =	sst lr;
	_ =	strace $0xD0000000  }
0x3: {  	_ = 	snop  }
0x4: {  	_ = 	snop  }
0x5: {  	_ = 	snop  }
0x6: {  	_ = 	snop  }
0x7: {  	_ = 	snop  }
__scs_overlays_trampoline_lowered:
0x8: {  	[smem:$0x3FAE] =	sst s0  }
0x9: {  	[smem:$0x3FAF] =	sst s1  }
0xa: {  	[smem:$0x3FB0] =	sst s2  }
0xb: {  	[smem:$0x3FB1] =	sst s3  }
0xc: {  	[smem:$0x3FB2] =	sst s4  }
0xd: {  	[smem:$0x3FB3] =	sst s5  }
0xe: {  	[smem:$0x3FB4] =	sst s6  }
0xf: {  	[smem:$0x3FB5] =	sst s7  }
0x10: {  	[smem:$0x3FB6] =	sst s8  }
0x11: {  	[smem:$0x3FB7] =	sst s9;
	s0 =	simm.s32 @!p0 $0x0  }
0x12: {  	s1 =	sld [smem:$0x3F9D];
	s0 =	simm.s32 @p0 $0x1  }
0x13: {  	[smem:$0x3FB8] =	sst s0;
	s0 =	simm.s32 @!p1 $0x0  }
0x14: {  	s2 =	sld [smem:$0x3F9C];
	s0 =	simm.s32 @p1 $0x1  }
0x15: {  	[smem:$0x3FB9] =	sst s0;
	s0 =	simm.s32 @!p2 $0x0  }
0x16: {  	s3 =	sld [smem:$0x3FDB];
	s0 =	simm.s32 @p2 $0x1  }
0x17: {  	s4 =	simm.s32 $0x1BF5;
	[smem:$0x3FBB] =	sst s0  }
0x18: {  	s0 =	sld [smem:$0x3F9E];
	_ =	swait.ge [sflag:s4], $0x0  }
0x19: {  	s7 =	sld [smem:$0x3F9F]  }
0x1a: {  	s8 =	sadd.s32 $0xFFFFE003, lr  }
0x1b: {  	s9 =	sadd.s32 $0xFFFFFEF7, lr;
	s5 =	simm.s32 $0xFFFFFFFF;
	p2 =	slt.u32 s8, $0xFFFFF086  }
0x1c: {  	p1 =	slt.u32 s9, $0xF7A;
	s5 =	simm.s32 @!p2 $0x0  }
0x1d: {  	s5 =	simm.s32 @p1 $0x1;
	p0 =	seq.s32 s7, s2  }
0x1e: {  	s7 =	smul.u32 @!p0 $0xF7A, s2;
	p2 =	seq.s32 @!p0 s5, $0x0  }
0x1f: {  	s9 =	smul.u32 $0xF7A, s1;
	s8 =	simm.s32 @!p0 $0x1BF5;
	p2 =	por !p2, p0  }
0x20: {  	[sflag:s8] =	ssyncset.s32 @!p0 $0xFFFFF086;
	s6 =	sadd.s32 @!p0 s3, s7;
	s7 =	simm.s32 @!p0 $0x108  }
0x21: {  	s3 =	sadd.s32 s3, s9;
	s6 =	sadd.s32 @!p0 $0x88, s6;
	s7 =	simm.s32 @p2 $0x1082  }
0x22: {  	[simem:s7], [sflag:s8] =	dma.local @!p0 [hbm:s6], $0xF7A  }
0x23: {  	s9 =	sor.u32 $0xD0000000, s2;
	s6 =	simm.s32 $0x108;
	_ =	swait.ge @!p0 [sflag:s8], $0x0  }
0x24: {  	s3 =	sadd.s32 $0x88, s3;
	s6 =	simm.s32 @!p1 $0x1082;
	[sflag:s4] =	ssyncset.s32 $0xFFFFF086  }
0x25: {  	[simem:s6], [sflag:s4] =	dma.local [hbm:s3], $0xF7A  }
0x26: {  	[smem:$0x3F9F] =	sst s1;
	(tag) =	ssettag s2;
	_ =	strace s9  }
0x27: {  	s1 =	sld [smem:$0x3FAF]  }
0x28: {  	s2 =	sld [smem:$0x3FB0]  }
0x29: {  	s4 =	sld [smem:$0x3FB2]  }
0x2a: {  	p0 =	seq.s32 s5, $0x0;
	s5 =	sld [smem:$0x3FB3]  }
0x2b: {  	s6 =	sld [smem:$0x3FB4]  }
0x2c: {  	s7 =	sld [smem:$0x3FB5]  }
0x2d: {  	s3 =	simm.s32 $0x108;
	s8 =	sld [smem:$0x3FB6]  }
0x2e: {  	s3 =	simm.s32 @!p0 $0x1082;
	s9 =	sld [smem:$0x3FB7]  }
0x2f: {  	lr =	sadd.s32 s0, s3;
	s0 =	sld [smem:$0x3FAE]  }
0x30: {  	s3 =	sld [smem:$0x3FB1]  }
0x31: {  	[smem:$0x3FBA] =	sst s10  }
0x32: {  	s10 =	sld [smem:$0x3FB8];
	_ =	sdelay $0x3  }
0x33: {  	p0 =	seq.s32 s10, $0x1;
	s10 =	sld [smem:$0x3FBA];
	_ =	sdelay $0x3  }
0x34: {  	[smem:$0x3FBA] =	sst s10  }
0x35: {  	s10 =	sld [smem:$0x3FB9];
	_ =	sdelay $0x3  }
0x36: {  	p1 =	seq.s32 s10, $0x1;
	s10 =	sld [smem:$0x3FBA];
	_ =	sdelay $0x3  }
0x37: {  	[smem:$0x3FBA] =	sst s10  }
0x38: {  	s10 =	sld [smem:$0x3FBB]  }
0x39: {  	_ = 	snop;
	(pc) =	sbr.ind lr, $3  }
0x3a: {  	_ = 	snop  }
0x3b: {  	_ = 	snop  }
0x3c: {  	p2 =	seq.s32 s10, $0x1;
	s10 =	sld [smem:$0x3FBA]  }
0x3d: {  	_ =	shalt  }
0x3e: {  	_ =	shalt  }
0x3f: {  	_ =	shalt  }
0x40: {  	_ =	shalt  }
0x41: {  	_ =	shalt  }
0x42: {  	_ =	shalt  }
0x43: {  	_ =	shalt  }
0x44: {  	_ =	shalt  }
0x45: {  	_ =	shalt  }
0x46: {  	_ =	shalt  }
0x47: {  	_ =	shalt  }
0x48: {  	_ =	shalt  }
0x49: {  	_ =	shalt  }
0x4a: {  	_ =	shalt  }
0x4b: {  	_ =	shalt  }
0x4c: {  	_ =	shalt  }
0x4d: {  	_ =	shalt  }
0x4e: {  	_ =	shalt  }
0x4f: {  	_ =	shalt  }
0x50: {  	_ =	shalt  }
0x51: {  	_ =	shalt  }
0x52: {  	_ =	shalt  }
0x53: {  	_ =	shalt  }
0x54: {  	_ =	shalt  }
0x55: {  	_ =	shalt  }
0x56: {  	_ =	shalt  }
0x57: {  	_ =	shalt  }
0x58: {  	_ =	shalt  }
0x59: {  	_ =	shalt  }
0x5a: {  	_ =	shalt  }
0x5b: {  	_ =	shalt  }
0x5c: {  	_ =	shalt  }
0x5d: {  	_ =	shalt  }
0x5e: {  	_ =	shalt  }
0x5f: {  	_ =	shalt  }
0x60: {  	_ =	shalt  }
0x61: {  	_ =	shalt  }
0x62: {  	_ =	shalt  }
0x63: {  	_ =	shalt  }
0x64: {  	_ =	shalt  }
0x65: {  	_ =	shalt  }
0x66: {  	_ =	shalt  }
0x67: {  	_ =	shalt  }
0x68: {  	_ =	shalt  }
0x69: {  	_ =	shalt  }
0x6a: {  	_ =	shalt  }
0x6b: {  	_ =	shalt  }
0x6c: {  	_ =	shalt  }
0x6d: {  	_ =	shalt  }
0x6e: {  	_ =	shalt  }
0x6f: {  	_ =	shalt  }
0x70: {  	_ =	shalt  }
0x71: {  	_ =	shalt  }
0x72: {  	_ =	shalt  }
0x73: {  	_ =	shalt  }
0x74: {  	_ =	shalt  }
0x75: {  	_ =	shalt  }
0x76: {  	_ =	shalt  }
0x77: {  	_ =	shalt  }
0x78: {  	_ =	shalt  }
0x79: {  	_ =	shalt  }
0x7a: {  	_ =	shalt  }
0x7b: {  	_ =	shalt  }
0x7c: {  	_ =	shalt  }
0x7d: {  	_ =	shalt  }
0x7e: {  	_ =	shalt  }
0x7f: {  	_ =	shalt  }
0x80: {  	_ =	shalt  }
0x81: {  	_ =	shalt  }
0x82: {  	_ =	shalt  }
0x83: {  	_ =	shalt  }
0x84: {  	_ =	shalt  }
0x85: {  	_ =	shalt  }
0x86: {  	_ =	shalt  }
0x87: {  	_ =	shalt  }
.Lfunc_end0:
.L_simem_size_0:
called_computation_lowered:
.L_overlay_start_0:
0x88: {  	s2 =	sld [smem:$0x3FD9]  }
0x89: {  	s3 =	sld [smem:$0x3FFE];
	_ =	sdelay $0x1  }
0x8a: {  	s1 =	srdreg.scid  }
0x8b: {  	s0 =	sand.u32 $0x1, s1  }
0x8c: {  	s17 =	sshll.u32 s0, $0xA;
	s2 =	sadd.s32 s3, s2  }
0x8d: {  	s2 =	sadd.s32 s2, s17  }
0x8e: {  	[smem:$0x3FC6] =	sst s2  }
0x8f: {  	_ = 	snop  }
0x90: {  	s2 =	sld [smem:$0x3FC9]  }
0x91: {  	s18 =	sld [smem:$0x3FC8];
	(tm) =	ssettm $0x1  }
0x92: {  	s4 =	sld [smem:$0x3FFB];
	_ =	sdelay $0x3  }
0x93: {  	_ =	strace s4  }
0x94: {  	s4 =	sld [smem:$0x3FFC];
	_ =	sdelay $0x3  }
0x95: {  	_ =	strace s4  }
0x96: {  	s4 =	sld [smem:$0x3FFD];
	_ =	sdelay $0x3  }
0x97: {  	_ =	strace s4  }
0x98: {  	_ =	strace $0x8FFFFFFF  }
0x99: {  	s19 =	sld [smem:$0x3FDB];
	_ =	sdelay $0x1  }
0x9a: {  	s5 =	simm.s32 $_scs_section_size  }
0x9b: {  	s6 =	simm.s32 $_size__tile_overlayer_lowered;
	s7 =	simm.s32 $_tile_overlayer_lowered  }
0x9c: {  	s22 =	simm.s32 $0x1BFF;
	s21 =	sshll.u32 s7, $0x1;
	s4 =	sadd.s32 s5, s19  }
0x9d: {  	s8 =	simm.s32 $0x0;
	s20 =	sshll.u32 s6, $0x1;
	s6 =	sadd.s32 s21, s4  }
0x9e: {  	[timem:s8], [sflag:s22] =	dma.local [hbm:s6], s20  }
0x9f: {  	_ =	swait.ge [sflag:s22], s20  }
0xa0: {  	s5 =	ssub.s32 $0x0, s20;
	[sflag:s22] =	ssyncset.done $0x0  }
0xa1: {  	[sflag:s22] =	ssyncadd.s32 s5;
	_ =	sdelay $0x1  }
0xa2: {  	s23 =	simm.s32 $0x1B8B  }
0xa3: {  	_ =	swait.ge [sflag:s23], $0x1  }
0xa4: {  	[sflag:s23] =	ssyncset.done $0x0  }
0xa5: {  	s25 =	simm.s32 $0x1B8E;
	s24 =	sld [smem:$0x3FFE];
	[sflag:s23] =	ssyncadd.s32 $0xFFFFFFFF  }
0xa6: {  	s26 =	simm.s32 $execute0_lowered;
	[smem:$0x3FD2] =	sst s25  }
0xa7: {  	s6 =	sshll.u32 s26, $0x1;
	_ =	strace $0x80000046;
	[dreg:$0x1] =	wrdreg $0xFFFFFFFF  }
0xa8: {  	s28 =	simm.s32 $_size_execute0_lowered;
	s4 =	sadd.s32 s4, s6;
	[dreg:$0x0] =	wrdreg $0x0  }
0xa9: {  	s6 =	sshll.u32 s28, $0x1;
	[dreg:$0x2] =	wrdreg s4  }
0xaa: {  	[dreg:$0x3] =	wrdreg s6  }
0xab: {  	[dreg:$0x4] =	wrdreg $0xC0  }
0xac: {  	_ =	task [dreg:s8], $0x5FFFF  }
0xad: {  	[dreg:$0x1] =	wrdreg $0xFFFFFFFF  }
0xae: {  	[dreg:$0x0] =	wrdreg $0x60  }
0xaf: {  	[dreg:$0x2] =	wrdreg s2  }
0xb0: {  	[dreg:$0x3] =	wrdreg s18  }
0xb1: {  	[dreg:$0x4] =	wrdreg s24  }
0xb2: {  	[dreg:$0x5] =	wrdreg $0x9  }
0xb3: {  	_ =	task.clear_ibuf [dreg:s8], $0x6FFFF;
	_ =	strace $0x90000046  }
0xb4: {  	s29 =	simm.s32 $0x9;
	_ =	strace $0x80000048  }
0xb5: {  	_ =	swait.ge [sflag:s29], $0x1  }
0xb6: {  	[sflag:s29] =	ssyncadd.s32 $0xFFFFFFFF  }
0xb7: {  	_ =	strace $0x90000048  }
0xb8: {  	_ =	sfence  }
0xb9: {  	s30 =	sld [smem:$0x0];
	_ =	sdelay $0x2  }
0xba: {  	s31 =	sshll.u32 s1, $0xD;
	s1 =	sshrl.u32 s1, $0x2  }
0xbb: {  	s3 =	sand.u32 $0x4000, s31;
	s1 =	sadd.s32 s1, s30  }
0xbc: {  	s0 =	sor.u32 s3, s0;
	s1 =	sshll.u32 s1, $0x11  }
0xbd: {  	s0 =	sor.u32 s1, s0  }
0xbe: {  	s0 =	sadd.s32 $0x8F2B, s0  }
0xbf: {  	[sflag:s0] =	ssyncadd.remote.s32 $0x1  }
0xc0: {  	_ =	sfence.sel $0xFFFF  }
0xc1: {  	[dreg:$0x0] =	wrdreg $0xFFFFFFFF;
	(pc) =	sbr.abs _section_cstart, $3  }
0xc2: {  	[dreg:$0x1] =	wrdreg $0xFFFFFFFF  }
0xc3: {  	_ =	task.clear_ibuf [dreg:s8], $0x2FFFF;
	_ =	strace $0x9FFFFFFF  }
0xc4: {  	(tm) =	ssettm $0x7FFFFFFF  }
0xc5: {  	_ =	shalt  }
tec
execute0_lowered:
.L_overlay_start_1:
0x0: {  	(tag) =	ssettag $0x1  }
0x1: {  	s1 =	rddreg [dreg:$0x0]  }
0x2: {  	s3 =	srdreg.scid;
	s2 =	rddreg [dreg:$0x1]  }
0x3: {  	s0 =	stileid.u32;
	s5 =	rddreg [dreg:$0x2];
	s13 =	simm.s32 $0x5  }
0x4: {  	s14 =	simm.s32 $0xA0;
	s15 =	simm.s32 $0x6400;
	s16 =	simm.s32 $0xB400  }
0x5: {  	s17 =	simm.s32 $0x1;
	s18 =	simm.s32 $0x10400;
	s19 =	simm.s32 $0x140  }
0x6: {  	s20 =	simm.s32 $0x2;
	s21 =	simm.s32 $0x15400;
	s22 =	simm.s32 $0x1E0  }
0x7: {  	s23 =	simm.s32 $0x3;
	s4 =	sand.u32 $0x1, s3;
	s28 =	sshll.u32 s0, $0x1  }
0x8: {  	s24 =	simm.s32 $0x4;
	s25 =	simm.s32 $0x0;
	s6 =	sor.u32 s4, s28  }
0x9: {  	s3 =	simm.s32 $0x0;
	s7 =	ssub.s32 $0x2, s4;
	s9 =	smul.u32 $0x6400, s6  }
0xa: {  	[smem:$0x7FF] =	sst s3;
	s4 =	sadd.s32 $0x400, s5;
	s8 =	smul.u32 $0x64000, s6  }
0xb: {  	s10 =	sshrl.u32 s7, $0x1;
	s6 =	smul.u32 $0x320000, s6;
	_ =	strace $0x80000047  }
0xc: {  	s12 =	ssub.s32 s7, s10;
	s29 =	sshrl.u32 s9, $0x3;
	s5 =	sadd.s32 s4, s8  }
0xd: {  	s30 =	sshrl.u32 s6, $0x3;
	s8 =	sor.u32 $0x140, s9;
	s9 =	sor.u32 $0x1E0, s9  }
0xe: {  	s12 =	smax.u32 s12, $0x1;
	s6 =	sadd.s32 s1, s29;
	s31 =	sadd.s32 s4, s30  }
0xf: {  	s7 =	sadd.s32 $0xA00, s5;
	s10 =	sadd.s32 $0x62C00, s31;
	s11 =	sadd.s32 $0x63600, s31  }
.LBB2_1:
0x10: {  	[tilespmem:s3], [sflag:$0x5] =	stream.linear.gather [hbm4b:s6+s3], $0x6400, $0x38;
	[tilespmem:$0x1A400] =	vst v63  }
0x11: {  	_ =	swait.ge [sflag:s13], $0x6400  }
0x12: {  	[sflag:s13] =	ssyncset.done $0x0  }
0x13: {  	[sflag:s13] =	ssyncadd.s32 $0xFFFF9C00  }
0x14: {  	[tilespmem:s15], [sflag:$0x1] =	stream.indirect.gather [hbm4b:s2+s14], $0x80, s3, s14, $0xb8;
	[tilespmem:$0x1A400] =	vst v63  }
0x15: {  	_ = 	snop  }
0x16: {  	[tilespmem:s16], [sflag:$0x2] =	stream.indirect.gather [hbm4b:s2+s14], $0x80, s14, s14, $0xb8;
	[tilespmem:$0x1A400] =	vst v63  }
0x17: {  	_ =	swait.ge [sflag:s17], $0x5000  }
0x18: {  	[sflag:s17] =	ssyncset.done $0x0  }
0x19: {  	s26 =	simm.s32 $0x0;
	[sflag:s17] =	ssyncadd.s32 $0xFFFFB000  }
0x1a: {  	v0 =	vld [tilespmem:s26+$0x65B0]  }
0x1b: {  	v1 =	vld [tilespmem:s26+$0x6400]  }
0x1c: {  	v2 =	vld [tilespmem:s26+$0x6410]  }
0x1d: {  	v3 =	vld [tilespmem:s26+$0x6420]  }
0x1e: {  	v4 =	vld [tilespmem:s26+$0x6430]  }
0x1f: {  	v5 =	vld [tilespmem:s26+$0x6480];
	[tilespmem:s26+$0x105B0] =	vst v0  }
0x20: {  	[tilespmem:s26+$0x10400] =	vst v1;
	v0 =	vld [tilespmem:s26+$0x6490]  }
0x21: {  	[tilespmem:s26+$0x10410] =	vst v2;
	v1 =	vld [tilespmem:s26+$0x64A0]  }
0x22: {  	[tilespmem:s26+$0x10420] =	vst v3;
	v2 =	vld [tilespmem:s26+$0x64B0]  }
0x23: {  	[tilespmem:s26+$0x10430] =	vst v4;
	v3 =	vld [tilespmem:s26+$0x6500]  }
0x24: {  	[tilespmem:s26+$0x10480] =	vst v5;
	v4 =	vld [tilespmem:s26+$0x6510]  }
0x25: {  	[tilespmem:s26+$0x10490] =	vst v0;
	v0 =	vld [tilespmem:s26+$0x6520]  }
0x26: {  	[tilespmem:s26+$0x104A0] =	vst v1;
	v1 =	vld [tilespmem:s26+$0x6530]  }
0x27: {  	[tilespmem:s26+$0x104B0] =	vst v2;
	v2 =	vld [tilespmem:s26+$0x6580]  }
0x28: {  	[tilespmem:s26+$0x10500] =	vst v3;
	v3 =	vld [tilespmem:s26+$0x6590]  }
0x29: {  	s28 =	simm.s32 $0x200;
	s29 =	simm.s32 $0x1000;
	[tilespmem:s26+$0x10510] =	vst v4;
	v4 =	vld [tilespmem:s26+$0x65A0]  }
.LBB2_2:
0x2a: {  	p0 =	sne.s32 s29, $0x13800;
	v5 =	vld [tilespmem:s28+$0x65B0];
	[tilespmem:s26+$0x10520] =	vst v0  }
0x2b: {  	v0 =	vld [tilespmem:s28+$0x6400];
	[tilespmem:s26+$0x10530] =	vst v1  }
0x2c: {  	v1 =	vld [tilespmem:s28+$0x6410];
	[tilespmem:s26+$0x10580] =	vst v2  }
0x2d: {  	v2 =	vld [tilespmem:s28+$0x6420];
	[tilespmem:s26+$0x10590] =	vst v3  }
0x2e: {  	v3 =	vld [tilespmem:s28+$0x6430];
	[tilespmem:s26+$0x105A0] =	vst v4;
	s26 =	smov.u32 s28  }
0x2f: {  	v4 =	vld [tilespmem:s26+$0x6480];
	[tilespmem:s26+$0x105B0] =	vst v5  }
0x30: {  	[tilespmem:s26+$0x10400] =	vst v0;
	v0 =	vld [tilespmem:s26+$0x6490]  }
0x31: {  	[tilespmem:s26+$0x10410] =	vst v1;
	v1 =	vld [tilespmem:s26+$0x64A0]  }
0x32: {  	[tilespmem:s26+$0x10420] =	vst v2;
	v2 =	vld [tilespmem:s26+$0x64B0]  }
0x33: {  	[tilespmem:s26+$0x10430] =	vst v3;
	v3 =	vld [tilespmem:s26+$0x6500]  }
0x34: {  	[tilespmem:s26+$0x10480] =	vst v4;
	v4 =	vld [tilespmem:s26+$0x6510]  }
.Ltmp0:
0x35: {  	[tilespmem:s26+$0x10490] =	vst v0;
	v0 =	vld [tilespmem:s26+$0x6520];
	(pc) =	sbr.rel @p0 .LBB2_2-.Ltmp0, $4  }
0x36: {  	[tilespmem:s26+$0x104A0] =	vst v1;
	v1 =	vld [tilespmem:s26+$0x6530]  }
0x37: {  	[tilespmem:s26+$0x104B0] =	vst v2;
	v2 =	vld [tilespmem:s26+$0x6580]  }
0x38: {  	[tilespmem:s26+$0x10500] =	vst v3;
	v3 =	vld [tilespmem:s26+$0x6590]  }
0x39: {  	s28 =	sshra.s32 s29, $0x2;
	s29 =	sadd.s32 $0x800, s29;
	[tilespmem:s26+$0x10510] =	vst v4;
	v4 =	vld [tilespmem:s26+$0x65A0]  }
0x3a: {  	v5 =	vld [tilespmem:s28+$0x65B0];
	[tilespmem:s26+$0x10520] =	vst v0  }
0x3b: {  	v0 =	vld [tilespmem:s28+$0x6400];
	[tilespmem:s26+$0x10530] =	vst v1  }
0x3c: {  	v1 =	vld [tilespmem:s28+$0x6410];
	[tilespmem:s26+$0x10580] =	vst v2  }
0x3d: {  	v2 =	vld [tilespmem:s28+$0x6420];
	[tilespmem:s26+$0x10590] =	vst v3  }
0x3e: {  	v3 =	vld [tilespmem:s28+$0x6430];
	[tilespmem:s26+$0x105A0] =	vst v4  }
0x3f: {  	v4 =	vld [tilespmem:s28+$0x6480];
	[tilespmem:s28+$0x105B0] =	vst v5  }
0x40: {  	[tilespmem:s28+$0x10400] =	vst v0;
	v0 =	vld [tilespmem:s28+$0x6490]  }
0x41: {  	[tilespmem:s28+$0x10410] =	vst v1;
	v1 =	vld [tilespmem:s28+$0x64A0]  }
0x42: {  	[tilespmem:s28+$0x10420] =	vst v2;
	v2 =	vld [tilespmem:s28+$0x64B0]  }
0x43: {  	[tilespmem:s28+$0x10430] =	vst v3;
	v3 =	vld [tilespmem:s28+$0x6500]  }
0x44: {  	[tilespmem:s28+$0x10480] =	vst v4;
	v4 =	vld [tilespmem:s28+$0x6510]  }
0x45: {  	[tilespmem:s28+$0x10490] =	vst v0;
	v0 =	vld [tilespmem:s28+$0x6520]  }
0x46: {  	[tilespmem:s28+$0x104A0] =	vst v1;
	v1 =	vld [tilespmem:s28+$0x6530]  }
0x47: {  	[tilespmem:s28+$0x104B0] =	vst v2;
	v2 =	vld [tilespmem:s28+$0x6580]  }
0x48: {  	[tilespmem:s28+$0x10500] =	vst v3;
	v3 =	vld [tilespmem:s28+$0x6590]  }
0x49: {  	[tilespmem:s28+$0x10510] =	vst v4;
	v4 =	vld [tilespmem:s28+$0x65A0]  }
0x4a: {  	[tilespmem:s28+$0x10520] =	vst v0  }
0x4b: {  	[tilespmem:s28+$0x10530] =	vst v1  }
0x4c: {  	[tilespmem:s28+$0x10580] =	vst v2  }
0x4d: {  	[tilespmem:s28+$0x10590] =	vst v3  }
0x4e: {  	s1 =	simm.s32 $0x0;
	[tilespmem:s28+$0x105A0] =	vst v4  }
0x4f: {  	[hbm4b:s5+s1] =	stream.linear.scatter [tilespmem:s18], [sflag:$0x3], $0x5000, $0x38;
	[tilespmem:$0x1A400] =	vst v63  }
0x50: {  	_ = 	snop  }
0x51: {  	[tilespmem:s15], [sflag:$0x1] =	stream.indirect.gather [hbm4b:s2+s14], $0x80, s19, s14, $0xb8;
	[tilespmem:$0x1A400] =	vst v63  }
0x52: {  	_ =	swait.ge [sflag:s20], $0x5000  }
0x53: {  	[sflag:s20] =	ssyncset.done $0x0  }
0x54: {  	s26 =	simm.s32 $0x0;
	[sflag:s20] =	ssyncadd.s32 $0xFFFFB000  }
0x55: {  	v0 =	vld [tilespmem:s26+$0xB5B0]  }
0x56: {  	v1 =	vld [tilespmem:s26+$0xB400]  }
0x57: {  	v2 =	vld [tilespmem:s26+$0xB410]  }
0x58: {  	v3 =	vld [tilespmem:s26+$0xB420]  }
0x59: {  	v4 =	vld [tilespmem:s26+$0xB430]  }
0x5a: {  	v5 =	vld [tilespmem:s26+$0xB480];
	[tilespmem:s26+$0x155B0] =	vst v0  }
0x5b: {  	[tilespmem:s26+$0x15400] =	vst v1;
	v0 =	vld [tilespmem:s26+$0xB490]  }
0x5c: {  	[tilespmem:s26+$0x15410] =	vst v2;
	v1 =	vld [tilespmem:s26+$0xB4A0]  }
0x5d: {  	[tilespmem:s26+$0x15420] =	vst v3;
	v2 =	vld [tilespmem:s26+$0xB4B0]  }
0x5e: {  	[tilespmem:s26+$0x15430] =	vst v4;
	v3 =	vld [tilespmem:s26+$0xB500]  }
0x5f: {  	[tilespmem:s26+$0x15480] =	vst v5;
	v4 =	vld [tilespmem:s26+$0xB510]  }
0x60: {  	[tilespmem:s26+$0x15490] =	vst v0;
	v0 =	vld [tilespmem:s26+$0xB520]  }
0x61: {  	[tilespmem:s26+$0x154A0] =	vst v1;
	v1 =	vld [tilespmem:s26+$0xB530]  }
0x62: {  	[tilespmem:s26+$0x154B0] =	vst v2;
	v2 =	vld [tilespmem:s26+$0xB580]  }
0x63: {  	[tilespmem:s26+$0x15500] =	vst v3;
	v3 =	vld [tilespmem:s26+$0xB590]  }
0x64: {  	s29 =	simm.s32 $0x1000;
	s28 =	simm.s32 $0x200;
	[tilespmem:s26+$0x15510] =	vst v4;
	v4 =	vld [tilespmem:s26+$0xB5A0]  }
.LBB2_4:
0x65: {  	p0 =	sne.s32 s29, $0x13800;
	v5 =	vld [tilespmem:s28+$0xB5B0];
	[tilespmem:s26+$0x15520] =	vst v0  }
0x66: {  	v0 =	vld [tilespmem:s28+$0xB400];
	[tilespmem:s26+$0x15530] =	vst v1  }
0x67: {  	v1 =	vld [tilespmem:s28+$0xB410];
	[tilespmem:s26+$0x15580] =	vst v2  }
0x68: {  	v2 =	vld [tilespmem:s28+$0xB420];
	[tilespmem:s26+$0x15590] =	vst v3  }
0x69: {  	v3 =	vld [tilespmem:s28+$0xB430];
	[tilespmem:s26+$0x155A0] =	vst v4;
	s26 =	smov.u32 s28  }
0x6a: {  	v4 =	vld [tilespmem:s26+$0xB480];
	[tilespmem:s26+$0x155B0] =	vst v5  }
0x6b: {  	[tilespmem:s26+$0x15400] =	vst v0;
	v0 =	vld [tilespmem:s26+$0xB490]  }
0x6c: {  	[tilespmem:s26+$0x15410] =	vst v1;
	v1 =	vld [tilespmem:s26+$0xB4A0]  }
0x6d: {  	[tilespmem:s26+$0x15420] =	vst v2;
	v2 =	vld [tilespmem:s26+$0xB4B0]  }
0x6e: {  	[tilespmem:s26+$0x15430] =	vst v3;
	v3 =	vld [tilespmem:s26+$0xB500]  }
0x6f: {  	[tilespmem:s26+$0x15480] =	vst v4;
	v4 =	vld [tilespmem:s26+$0xB510]  }
.Ltmp1:
0x70: {  	[tilespmem:s26+$0x15490] =	vst v0;
	v0 =	vld [tilespmem:s26+$0xB520];
	(pc) =	sbr.rel @p0 .LBB2_4-.Ltmp1, $4  }
0x71: {  	[tilespmem:s26+$0x154A0] =	vst v1;
	v1 =	vld [tilespmem:s26+$0xB530]  }
0x72: {  	[tilespmem:s26+$0x154B0] =	vst v2;
	v2 =	vld [tilespmem:s26+$0xB580]  }
0x73: {  	[tilespmem:s26+$0x15500] =	vst v3;
	v3 =	vld [tilespmem:s26+$0xB590]  }
0x74: {  	s28 =	sshra.s32 s29, $0x2;
	s29 =	sadd.s32 $0x800, s29;
	[tilespmem:s26+$0x15510] =	vst v4;
	v4 =	vld [tilespmem:s26+$0xB5A0]  }
0x75: {  	v5 =	vld [tilespmem:s28+$0xB5B0];
	[tilespmem:s26+$0x15520] =	vst v0  }
0x76: {  	v0 =	vld [tilespmem:s28+$0xB400];
	[tilespmem:s26+$0x15530] =	vst v1  }
0x77: {  	v1 =	vld [tilespmem:s28+$0xB410];
	[tilespmem:s26+$0x15580] =	vst v2  }
0x78: {  	v2 =	vld [tilespmem:s28+$0xB420];
	[tilespmem:s26+$0x15590] =	vst v3  }
0x79: {  	v3 =	vld [tilespmem:s28+$0xB430];
	[tilespmem:s26+$0x155A0] =	vst v4  }
0x7a: {  	v4 =	vld [tilespmem:s28+$0xB480];
	[tilespmem:s28+$0x155B0] =	vst v5  }
0x7b: {  	v54 =	vld [tilespmem:s28+$0xB490];
	[tilespmem:s28+$0x15400] =	vst v0  }
0x7c: {  	v55 =	vld [tilespmem:s28+$0xB4A0];
	[tilespmem:s28+$0x15410] =	vst v1  }
0x7d: {  	v56 =	vld [tilespmem:s28+$0xB4B0];
	[tilespmem:s28+$0x15420] =	vst v2  }
0x7e: {  	v57 =	vld [tilespmem:s28+$0xB500];
	[tilespmem:s28+$0x15430] =	vst v3  }
0x7f: {  	v58 =	vld [tilespmem:s28+$0xB510];
	[tilespmem:s28+$0x15480] =	vst v4  }
0x80: {  	v59 =	vld [tilespmem:s28+$0xB520];
	[tilespmem:s28+$0x15490] =	vst v54  }
0x81: {  	v60 =	vld [tilespmem:s28+$0xB530];
	[tilespmem:s28+$0x154A0] =	vst v55  }
0x82: {  	v61 =	vld [tilespmem:s28+$0xB580];
	[tilespmem:s28+$0x154B0] =	vst v56  }
0x83: {  	v62 =	vld [tilespmem:s28+$0xB590];
	[tilespmem:s28+$0x15500] =	vst v57  }
0x84: {  	v63 =	vld [tilespmem:s28+$0xB5A0];
	[tilespmem:s28+$0x15510] =	vst v58  }
0x85: {  	[tilespmem:s28+$0x15520] =	vst v59  }
0x86: {  	[tilespmem:s28+$0x15530] =	vst v60  }
0x87: {  	[tilespmem:s28+$0x15580] =	vst v61  }
0x88: {  	[tilespmem:s28+$0x15590] =	vst v62  }
0x89: {  	s26 =	simm.s32 $0x0;
	[tilespmem:s28+$0x155A0] =	vst v63  }
0x8a: {  	[hbm4b:s7+s26] =	stream.linear.scatter [tilespmem:s21], [sflag:$0x4], $0x5000, $0x38;
	[tilespmem:$0x1A400] =	vst v63  }
0x8b: {  	_ = 	snop  }
0x8c: {  	[tilespmem:s16], [sflag:$0x2] =	stream.indirect.gather [hbm4b:s2+s14], $0x80, s22, s14, $0xb8;
	[tilespmem:$0x1A400] =	vst v63  }
.LBB2_6:
0x8d: {  	_ =	swait.ge [sflag:s17], $0x5000  }
0x8e: {  	[sflag:s17] =	ssyncset.done $0x0  }
0x8f: {  	[sflag:s17] =	ssyncadd.s32 $0xFFFFB000  }
0x90: {  	_ =	swait.ge [sflag:s23], $0x5000  }
0x91: {  	[sflag:s23] =	ssyncset.done $0x0  }
0x92: {  	s28 =	simm.s32 $0x0;
	[sflag:s23] =	ssyncadd.s32 $0xFFFFB000  }
0x93: {  	v0 =	vld [tilespmem:s28+$0x65B0]  }
0x94: {  	v1 =	vld [tilespmem:s28+$0x6400]  }
0x95: {  	v2 =	vld [tilespmem:s28+$0x6410]  }
0x96: {  	v3 =	vld [tilespmem:s28+$0x6420]  }
0x97: {  	v4 =	vld [tilespmem:s28+$0x6430]  }
0x98: {  	v5 =	vld [tilespmem:s28+$0x6480];
	[tilespmem:s28+$0x105B0] =	vst v0  }
0x99: {  	[tilespmem:s28+$0x10400] =	vst v1;
	v0 =	vld [tilespmem:s28+$0x6490]  }
0x9a: {  	[tilespmem:s28+$0x10410] =	vst v2;
	v1 =	vld [tilespmem:s28+$0x64A0]  }
0x9b: {  	[tilespmem:s28+$0x10420] =	vst v3;
	v2 =	vld [tilespmem:s28+$0x64B0]  }
0x9c: {  	[tilespmem:s28+$0x10430] =	vst v4;
	v3 =	vld [tilespmem:s28+$0x6500]  }
0x9d: {  	[tilespmem:s28+$0x10480] =	vst v5;
	v4 =	vld [tilespmem:s28+$0x6510]  }
0x9e: {  	[tilespmem:s28+$0x10490] =	vst v0;
	v0 =	vld [tilespmem:s28+$0x6520]  }
0x9f: {  	[tilespmem:s28+$0x104A0] =	vst v1;
	v1 =	vld [tilespmem:s28+$0x6530]  }
0xa0: {  	[tilespmem:s28+$0x104B0] =	vst v2;
	v2 =	vld [tilespmem:s28+$0x6580]  }
0xa1: {  	[tilespmem:s28+$0x10500] =	vst v3;
	v3 =	vld [tilespmem:s28+$0x6590]  }
0xa2: {  	s29 =	simm.s32 $0x200;
	s30 =	simm.s32 $0x1000;
	[tilespmem:s28+$0x10510] =	vst v4;
	v4 =	vld [tilespmem:s28+$0x65A0]  }
.LBB2_7:
0xa3: {  	p0 =	sne.s32 s30, $0x13800;
	v5 =	vld [tilespmem:s29+$0x65B0];
	[tilespmem:s28+$0x10520] =	vst v0  }
0xa4: {  	v0 =	vld [tilespmem:s29+$0x6400];
	[tilespmem:s28+$0x10530] =	vst v1  }
0xa5: {  	v1 =	vld [tilespmem:s29+$0x6410];
	[tilespmem:s28+$0x10580] =	vst v2  }
0xa6: {  	v2 =	vld [tilespmem:s29+$0x6420];
	[tilespmem:s28+$0x10590] =	vst v3  }
0xa7: {  	v3 =	vld [tilespmem:s29+$0x6430];
	[tilespmem:s28+$0x105A0] =	vst v4;
	s28 =	smov.u32 s29  }
0xa8: {  	v4 =	vld [tilespmem:s28+$0x6480];
	[tilespmem:s28+$0x105B0] =	vst v5  }
0xa9: {  	[tilespmem:s28+$0x10400] =	vst v0;
	v0 =	vld [tilespmem:s28+$0x6490]  }
0xaa: {  	[tilespmem:s28+$0x10410] =	vst v1;
	v1 =	vld [tilespmem:s28+$0x64A0]  }
0xab: {  	[tilespmem:s28+$0x10420] =	vst v2;
	v2 =	vld [tilespmem:s28+$0x64B0]  }
0xac: {  	[tilespmem:s28+$0x10430] =	vst v3;
	v3 =	vld [tilespmem:s28+$0x6500]  }
0xad: {  	[tilespmem:s28+$0x10480] =	vst v4;
	v4 =	vld [tilespmem:s28+$0x6510]  }
.Ltmp2:
0xae: {  	[tilespmem:s28+$0x10490] =	vst v0;
	v0 =	vld [tilespmem:s28+$0x6520];
	(pc) =	sbr.rel @p0 .LBB2_7-.Ltmp2, $4  }
0xaf: {  	[tilespmem:s28+$0x104A0] =	vst v1;
	v1 =	vld [tilespmem:s28+$0x6530]  }
0xb0: {  	[tilespmem:s28+$0x104B0] =	vst v2;
	v2 =	vld [tilespmem:s28+$0x6580]  }
0xb1: {  	[tilespmem:s28+$0x10500] =	vst v3;
	v3 =	vld [tilespmem:s28+$0x6590]  }
0xb2: {  	s29 =	sshra.s32 s30, $0x2;
	s30 =	sadd.s32 $0x800, s30;
	[tilespmem:s28+$0x10510] =	vst v4;
	v4 =	vld [tilespmem:s28+$0x65A0]  }
0xb3: {  	v5 =	vld [tilespmem:s29+$0x65B0];
	[tilespmem:s28+$0x10520] =	vst v0  }
0xb4: {  	v0 =	vld [tilespmem:s29+$0x6400];
	[tilespmem:s28+$0x10530] =	vst v1  }
0xb5: {  	v1 =	vld [tilespmem:s29+$0x6410];
	[tilespmem:s28+$0x10580] =	vst v2  }
0xb6: {  	v2 =	vld [tilespmem:s29+$0x6420];
	[tilespmem:s28+$0x10590] =	vst v3  }
0xb7: {  	v3 =	vld [tilespmem:s29+$0x6430];
	[tilespmem:s28+$0x105A0] =	vst v4  }
0xb8: {  	v4 =	vld [tilespmem:s29+$0x6480];
	[tilespmem:s29+$0x105B0] =	vst v5  }
0xb9: {  	[tilespmem:s29+$0x10400] =	vst v0;
	v0 =	vld [tilespmem:s29+$0x6490]  }
0xba: {  	[tilespmem:s29+$0x10410] =	vst v1;
	v1 =	vld [tilespmem:s29+$0x64A0]  }
0xbb: {  	[tilespmem:s29+$0x10420] =	vst v2;
	v2 =	vld [tilespmem:s29+$0x64B0]  }
0xbc: {  	[tilespmem:s29+$0x10430] =	vst v3;
	v3 =	vld [tilespmem:s29+$0x6500]  }
0xbd: {  	[tilespmem:s29+$0x10480] =	vst v4;
	v4 =	vld [tilespmem:s29+$0x6510]  }
0xbe: {  	[tilespmem:s29+$0x10490] =	vst v0;
	v0 =	vld [tilespmem:s29+$0x6520]  }
0xbf: {  	[tilespmem:s29+$0x104A0] =	vst v1;
	v1 =	vld [tilespmem:s29+$0x6530]  }
0xc0: {  	[tilespmem:s29+$0x104B0] =	vst v2;
	v2 =	vld [tilespmem:s29+$0x6580]  }
0xc1: {  	[tilespmem:s29+$0x10500] =	vst v3;
	v3 =	vld [tilespmem:s29+$0x6590]  }
0xc2: {  	[tilespmem:s29+$0x10510] =	vst v4;
	v4 =	vld [tilespmem:s29+$0x65A0]  }
0xc3: {  	[tilespmem:s29+$0x10520] =	vst v0  }
0xc4: {  	s1 =	smul.u32 $0x500, s26;
	[tilespmem:s29+$0x10530] =	vst v1  }
0xc5: {  	[tilespmem:s29+$0x10580] =	vst v2  }
0xc6: {  	s28 =	sshra.s32 s1, $0x2;
	[tilespmem:s29+$0x10590] =	vst v3  }
0xc7: {  	s1 =	sadd.s32 $0x280, s28;
	[tilespmem:s29+$0x105A0] =	vst v4;
	s29 =	smul.u32 $0x140, s26  }
0xc8: {  	[tilespmem:s15], [sflag:$0x1] =	stream.indirect.gather [hbm4b:s2+s14], $0x80, s1, s14, $0xb8;
	[tilespmem:$0x1A400] =	vst v63  }
0xc9: {  	s1 =	sadd.s32 s29, s8  }
0xca: {  	s1 =	sshll.u32 s1, $0x4  }
0xcb: {  	s30 =	simm.s32 $0x0;
	s1 =	sadd.s32 s4, s1  }
0xcc: {  	[hbm4b:s1+s30] =	stream.linear.scatter [tilespmem:s18], [sflag:$0x3], $0x5000, $0x38;
	[tilespmem:$0x1A400] =	vst v63  }
0xcd: {  	_ =	swait.ge [sflag:s20], $0x5000  }
0xce: {  	[sflag:s20] =	ssyncset.done $0x0  }
0xcf: {  	[sflag:s20] =	ssyncadd.s32 $0xFFFFB000  }
0xd0: {  	_ =	swait.ge [sflag:s24], $0x5000  }
0xd1: {  	[sflag:s24] =	ssyncset.done $0x0  }
0xd2: {  	s30 =	simm.s32 $0x0;
	[sflag:s24] =	ssyncadd.s32 $0xFFFFB000  }
0xd3: {  	v0 =	vld [tilespmem:s30+$0xB5B0]  }
0xd4: {  	v1 =	vld [tilespmem:s30+$0xB400]  }
0xd5: {  	v2 =	vld [tilespmem:s30+$0xB410]  }
0xd6: {  	v3 =	vld [tilespmem:s30+$0xB420]  }
0xd7: {  	v4 =	vld [tilespmem:s30+$0xB430]  }
0xd8: {  	v5 =	vld [tilespmem:s30+$0xB480];
	[tilespmem:s30+$0x155B0] =	vst v0  }
0xd9: {  	[tilespmem:s30+$0x15400] =	vst v1;
	v0 =	vld [tilespmem:s30+$0xB490]  }
0xda: {  	[tilespmem:s30+$0x15410] =	vst v2;
	v1 =	vld [tilespmem:s30+$0xB4A0]  }
0xdb: {  	[tilespmem:s30+$0x15420] =	vst v3;
	v2 =	vld [tilespmem:s30+$0xB4B0]  }
0xdc: {  	[tilespmem:s30+$0x15430] =	vst v4;
	v3 =	vld [tilespmem:s30+$0xB500]  }
0xdd: {  	[tilespmem:s30+$0x15480] =	vst v5;
	v4 =	vld [tilespmem:s30+$0xB510]  }
0xde: {  	[tilespmem:s30+$0x15490] =	vst v0;
	v0 =	vld [tilespmem:s30+$0xB520]  }
0xdf: {  	[tilespmem:s30+$0x154A0] =	vst v1;
	v1 =	vld [tilespmem:s30+$0xB530]  }
0xe0: {  	[tilespmem:s30+$0x154B0] =	vst v2;
	v2 =	vld [tilespmem:s30+$0xB580]  }
0xe1: {  	[tilespmem:s30+$0x15500] =	vst v3;
	v3 =	vld [tilespmem:s30+$0xB590]  }
0xe2: {  	s31 =	simm.s32 $0x200;
	s1 =	simm.s32 $0x1000;
	[tilespmem:s30+$0x15510] =	vst v4;
	v4 =	vld [tilespmem:s30+$0xB5A0]  }
.LBB2_9:
0xe3: {  	p0 =	sne.s32 s1, $0x13800;
	v5 =	vld [tilespmem:s31+$0xB5B0];
	[tilespmem:s30+$0x15520] =	vst v0  }
0xe4: {  	v0 =	vld [tilespmem:s31+$0xB400];
	[tilespmem:s30+$0x15530] =	vst v1  }
0xe5: {  	v1 =	vld [tilespmem:s31+$0xB410];
	[tilespmem:s30+$0x15580] =	vst v2  }
0xe6: {  	v2 =	vld [tilespmem:s31+$0xB420];
	[tilespmem:s30+$0x15590] =	vst v3  }
0xe7: {  	v3 =	vld [tilespmem:s31+$0xB430];
	[tilespmem:s30+$0x155A0] =	vst v4;
	s30 =	smov.u32 s31  }
0xe8: {  	v4 =	vld [tilespmem:s30+$0xB480];
	[tilespmem:s30+$0x155B0] =	vst v5  }
0xe9: {  	[tilespmem:s30+$0x15400] =	vst v0;
	v0 =	vld [tilespmem:s30+$0xB490]  }
0xea: {  	[tilespmem:s30+$0x15410] =	vst v1;
	v1 =	vld [tilespmem:s30+$0xB4A0]  }
0xeb: {  	[tilespmem:s30+$0x15420] =	vst v2;
	v2 =	vld [tilespmem:s30+$0xB4B0]  }
0xec: {  	[tilespmem:s30+$0x15430] =	vst v3;
	v3 =	vld [tilespmem:s30+$0xB500]  }
0xed: {  	[tilespmem:s30+$0x15480] =	vst v4;
	v4 =	vld [tilespmem:s30+$0xB510]  }
.Ltmp3:
0xee: {  	[tilespmem:s30+$0x15490] =	vst v0;
	v0 =	vld [tilespmem:s30+$0xB520];
	(pc) =	sbr.rel @p0 .LBB2_9-.Ltmp3, $4  }
0xef: {  	[tilespmem:s30+$0x154A0] =	vst v1;
	v1 =	vld [tilespmem:s30+$0xB530]  }
0xf0: {  	[tilespmem:s30+$0x154B0] =	vst v2;
	v2 =	vld [tilespmem:s30+$0xB580]  }
0xf1: {  	[tilespmem:s30+$0x15500] =	vst v3;
	v3 =	vld [tilespmem:s30+$0xB590]  }
0xf2: {  	s31 =	sshra.s32 s1, $0x2;
	s1 =	sadd.s32 $0x800, s1;
	[tilespmem:s30+$0x15510] =	vst v4;
	v4 =	vld [tilespmem:s30+$0xB5A0]  }
0xf3: {  	v5 =	vld [tilespmem:s31+$0xB5B0];
	[tilespmem:s30+$0x15520] =	vst v0  }
0xf4: {  	v0 =	vld [tilespmem:s31+$0xB400];
	[tilespmem:s30+$0x15530] =	vst v1  }
0xf5: {  	v1 =	vld [tilespmem:s31+$0xB410];
	[tilespmem:s30+$0x15580] =	vst v2  }
0xf6: {  	v2 =	vld [tilespmem:s31+$0xB420];
	[tilespmem:s30+$0x15590] =	vst v3  }
0xf7: {  	v3 =	vld [tilespmem:s31+$0xB430];
	[tilespmem:s30+$0x155A0] =	vst v4  }
0xf8: {  	v4 =	vld [tilespmem:s31+$0xB480];
	[tilespmem:s31+$0x155B0] =	vst v5  }
0xf9: {  	v54 =	vld [tilespmem:s31+$0xB490];
	[tilespmem:s31+$0x15400] =	vst v0  }
0xfa: {  	v55 =	vld [tilespmem:s31+$0xB4A0];
	[tilespmem:s31+$0x15410] =	vst v1  }
0xfb: {  	v56 =	vld [tilespmem:s31+$0xB4B0];
	[tilespmem:s31+$0x15420] =	vst v2  }
0xfc: {  	v57 =	vld [tilespmem:s31+$0xB500];
	[tilespmem:s31+$0x15430] =	vst v3  }
0xfd: {  	v58 =	vld [tilespmem:s31+$0xB510];
	[tilespmem:s31+$0x15480] =	vst v4  }
0xfe: {  	v59 =	vld [tilespmem:s31+$0xB520];
	[tilespmem:s31+$0x15490] =	vst v54  }
0xff: {  	v60 =	vld [tilespmem:s31+$0xB530];
	[tilespmem:s31+$0x154A0] =	vst v55  }
0x100: {  	v61 =	vld [tilespmem:s31+$0xB580];
	[tilespmem:s31+$0x154B0] =	vst v56  }
0x101: {  	v62 =	vld [tilespmem:s31+$0xB590];
	[tilespmem:s31+$0x15500] =	vst v57  }
0x102: {  	v63 =	vld [tilespmem:s31+$0xB5A0];
	[tilespmem:s31+$0x15510] =	vst v58  }
0x103: {  	[tilespmem:s31+$0x15520] =	vst v59  }
0x104: {  	[tilespmem:s31+$0x15530] =	vst v60  }
0x105: {  	s26 =	sadd.s32 $0x1, s26;
	[tilespmem:s31+$0x15580] =	vst v61  }
0x106: {  	p0 =	sne.s32 s26, $0x4E;
	[tilespmem:s31+$0x15590] =	vst v62  }
.Ltmp4:
0x107: {  	s1 =	sadd.s32 $0x320, s28;
	[tilespmem:s31+$0x155A0] =	vst v63;
	s31 =	sadd.s32 s29, s9;
	(pc) =	sbr.rel @p0 .LBB2_6-.Ltmp4, $4  }
0x108: {  	[tilespmem:s16], [sflag:$0x2] =	stream.indirect.gather [hbm4b:s2+s14], $0x80, s1, s14, $0xb8;
	[tilespmem:$0x1A400] =	vst v63  }
0x109: {  	s1 =	sshll.u32 s31, $0x4  }
0x10a: {  	s1 =	sadd.s32 s4, s1  }
0x10b: {  	[hbm4b:s1+s3] =	stream.linear.scatter [tilespmem:s21], [sflag:$0x4], $0x5000, $0x38;
	[tilespmem:$0x1A400] =	vst v63  }
0x10c: {  	_ =	swait.ge [sflag:s17], $0x5000  }
0x10d: {  	[sflag:s17] =	ssyncset.done $0x0  }
0x10e: {  	[sflag:s17] =	ssyncadd.s32 $0xFFFFB000  }
0x10f: {  	_ =	swait.ge [sflag:s23], $0x5000  }
0x110: {  	[sflag:s23] =	ssyncset.done $0x0  }
0x111: {  	s26 =	simm.s32 $0x0;
	[sflag:s23] =	ssyncadd.s32 $0xFFFFB000  }
0x112: {  	v0 =	vld [tilespmem:s26+$0x65B0]  }
0x113: {  	v1 =	vld [tilespmem:s26+$0x6400]  }
0x114: {  	v2 =	vld [tilespmem:s26+$0x6410]  }
0x115: {  	v3 =	vld [tilespmem:s26+$0x6420]  }
0x116: {  	v4 =	vld [tilespmem:s26+$0x6430]  }
0x117: {  	v5 =	vld [tilespmem:s26+$0x6480];
	[tilespmem:s26+$0x105B0] =	vst v0  }
0x118: {  	[tilespmem:s26+$0x10400] =	vst v1;
	v0 =	vld [tilespmem:s26+$0x6490]  }
0x119: {  	[tilespmem:s26+$0x10410] =	vst v2;
	v1 =	vld [tilespmem:s26+$0x64A0]  }
0x11a: {  	[tilespmem:s26+$0x10420] =	vst v3;
	v2 =	vld [tilespmem:s26+$0x64B0]  }
0x11b: {  	[tilespmem:s26+$0x10430] =	vst v4;
	v3 =	vld [tilespmem:s26+$0x6500]  }
0x11c: {  	[tilespmem:s26+$0x10480] =	vst v5;
	v4 =	vld [tilespmem:s26+$0x6510]  }
0x11d: {  	[tilespmem:s26+$0x10490] =	vst v0;
	v0 =	vld [tilespmem:s26+$0x6520]  }
0x11e: {  	[tilespmem:s26+$0x104A0] =	vst v1;
	v1 =	vld [tilespmem:s26+$0x6530]  }
0x11f: {  	[tilespmem:s26+$0x104B0] =	vst v2;
	v2 =	vld [tilespmem:s26+$0x6580]  }
0x120: {  	[tilespmem:s26+$0x10500] =	vst v3;
	v3 =	vld [tilespmem:s26+$0x6590]  }
0x121: {  	s28 =	simm.s32 $0x200;
	s1 =	simm.s32 $0x1000;
	[tilespmem:s26+$0x10510] =	vst v4;
	v4 =	vld [tilespmem:s26+$0x65A0]  }
.LBB2_12:
0x122: {  	p0 =	sne.s32 s1, $0x13800;
	v5 =	vld [tilespmem:s28+$0x65B0];
	[tilespmem:s26+$0x10520] =	vst v0  }
0x123: {  	v0 =	vld [tilespmem:s28+$0x6400];
	[tilespmem:s26+$0x10530] =	vst v1  }
0x124: {  	v1 =	vld [tilespmem:s28+$0x6410];
	[tilespmem:s26+$0x10580] =	vst v2  }
0x125: {  	v2 =	vld [tilespmem:s28+$0x6420];
	[tilespmem:s26+$0x10590] =	vst v3  }
0x126: {  	v3 =	vld [tilespmem:s28+$0x6430];
	[tilespmem:s26+$0x105A0] =	vst v4;
	s26 =	smov.u32 s28  }
0x127: {  	v4 =	vld [tilespmem:s26+$0x6480];
	[tilespmem:s26+$0x105B0] =	vst v5  }
0x128: {  	[tilespmem:s26+$0x10400] =	vst v0;
	v0 =	vld [tilespmem:s26+$0x6490]  }
0x129: {  	[tilespmem:s26+$0x10410] =	vst v1;
	v1 =	vld [tilespmem:s26+$0x64A0]  }
0x12a: {  	[tilespmem:s26+$0x10420] =	vst v2;
	v2 =	vld [tilespmem:s26+$0x64B0]  }
0x12b: {  	[tilespmem:s26+$0x10430] =	vst v3;
	v3 =	vld [tilespmem:s26+$0x6500]  }
0x12c: {  	[tilespmem:s26+$0x10480] =	vst v4;
	v4 =	vld [tilespmem:s26+$0x6510]  }
.Ltmp5:
0x12d: {  	[tilespmem:s26+$0x10490] =	vst v0;
	v0 =	vld [tilespmem:s26+$0x6520];
	(pc) =	sbr.rel @p0 .LBB2_12-.Ltmp5, $4  }
0x12e: {  	[tilespmem:s26+$0x104A0] =	vst v1;
	v1 =	vld [tilespmem:s26+$0x6530]  }
0x12f: {  	[tilespmem:s26+$0x104B0] =	vst v2;
	v2 =	vld [tilespmem:s26+$0x6580]  }
0x130: {  	[tilespmem:s26+$0x10500] =	vst v3;
	v3 =	vld [tilespmem:s26+$0x6590]  }
0x131: {  	s28 =	sshra.s32 s1, $0x2;
	s1 =	sadd.s32 $0x800, s1;
	[tilespmem:s26+$0x10510] =	vst v4;
	v4 =	vld [tilespmem:s26+$0x65A0]  }
0x132: {  	v5 =	vld [tilespmem:s28+$0x65B0];
	[tilespmem:s26+$0x10520] =	vst v0  }
0x133: {  	v0 =	vld [tilespmem:s28+$0x6400];
	[tilespmem:s26+$0x10530] =	vst v1  }
0x134: {  	v1 =	vld [tilespmem:s28+$0x6410];
	[tilespmem:s26+$0x10580] =	vst v2  }
0x135: {  	v2 =	vld [tilespmem:s28+$0x6420];
	[tilespmem:s26+$0x10590] =	vst v3  }
0x136: {  	v3 =	vld [tilespmem:s28+$0x6430];
	[tilespmem:s26+$0x105A0] =	vst v4  }
0x137: {  	v4 =	vld [tilespmem:s28+$0x6480];
	[tilespmem:s28+$0x105B0] =	vst v5  }
0x138: {  	[tilespmem:s28+$0x10400] =	vst v0;
	v0 =	vld [tilespmem:s28+$0x6490]  }
0x139: {  	[tilespmem:s28+$0x10410] =	vst v1;
	v1 =	vld [tilespmem:s28+$0x64A0]  }
0x13a: {  	[tilespmem:s28+$0x10420] =	vst v2;
	v2 =	vld [tilespmem:s28+$0x64B0]  }
0x13b: {  	[tilespmem:s28+$0x10430] =	vst v3;
	v3 =	vld [tilespmem:s28+$0x6500]  }
0x13c: {  	[tilespmem:s28+$0x10480] =	vst v4;
	v4 =	vld [tilespmem:s28+$0x6510]  }
0x13d: {  	[tilespmem:s28+$0x10490] =	vst v0;
	v0 =	vld [tilespmem:s28+$0x6520]  }
0x13e: {  	[tilespmem:s28+$0x104A0] =	vst v1;
	v1 =	vld [tilespmem:s28+$0x6530]  }
0x13f: {  	[tilespmem:s28+$0x104B0] =	vst v2;
	v2 =	vld [tilespmem:s28+$0x6580]  }
0x140: {  	[tilespmem:s28+$0x10500] =	vst v3;
	v3 =	vld [tilespmem:s28+$0x6590]  }
0x141: {  	[tilespmem:s28+$0x10510] =	vst v4;
	v4 =	vld [tilespmem:s28+$0x65A0]  }
0x142: {  	[tilespmem:s28+$0x10520] =	vst v0  }
0x143: {  	[tilespmem:s28+$0x10530] =	vst v1  }
0x144: {  	[tilespmem:s28+$0x10580] =	vst v2  }
0x145: {  	[tilespmem:s28+$0x10590] =	vst v3  }
0x146: {  	s1 =	simm.s32 $0x0;
	[tilespmem:s28+$0x105A0] =	vst v4  }
0x147: {  	[hbm4b:s10+s1] =	stream.linear.scatter [tilespmem:s18], [sflag:$0x3], $0x5000, $0x38;
	[tilespmem:$0x1A400] =	vst v63  }
0x148: {  	_ =	swait.ge [sflag:s20], $0x5000  }
0x149: {  	[sflag:s20] =	ssyncset.done $0x0  }
0x14a: {  	[sflag:s20] =	ssyncadd.s32 $0xFFFFB000  }
0x14b: {  	_ =	swait.ge [sflag:s24], $0x5000  }
0x14c: {  	[sflag:s24] =	ssyncset.done $0x0  }
0x14d: {  	s26 =	simm.s32 $0x0;
	[sflag:s24] =	ssyncadd.s32 $0xFFFFB000  }
0x14e: {  	v0 =	vld [tilespmem:s26+$0xB5B0]  }
0x14f: {  	v1 =	vld [tilespmem:s26+$0xB400]  }
0x150: {  	v2 =	vld [tilespmem:s26+$0xB410]  }
0x151: {  	v3 =	vld [tilespmem:s26+$0xB420]  }
0x152: {  	v4 =	vld [tilespmem:s26+$0xB430]  }
0x153: {  	v5 =	vld [tilespmem:s26+$0xB480];
	[tilespmem:s26+$0x155B0] =	vst v0  }
0x154: {  	[tilespmem:s26+$0x15400] =	vst v1;
	v0 =	vld [tilespmem:s26+$0xB490]  }
0x155: {  	[tilespmem:s26+$0x15410] =	vst v2;
	v1 =	vld [tilespmem:s26+$0xB4A0]  }
0x156: {  	[tilespmem:s26+$0x15420] =	vst v3;
	v2 =	vld [tilespmem:s26+$0xB4B0]  }
0x157: {  	[tilespmem:s26+$0x15430] =	vst v4;
	v3 =	vld [tilespmem:s26+$0xB500]  }
0x158: {  	[tilespmem:s26+$0x15480] =	vst v5;
	v4 =	vld [tilespmem:s26+$0xB510]  }
0x159: {  	[tilespmem:s26+$0x15490] =	vst v0;
	v0 =	vld [tilespmem:s26+$0xB520]  }
0x15a: {  	[tilespmem:s26+$0x154A0] =	vst v1;
	v1 =	vld [tilespmem:s26+$0xB530]  }
0x15b: {  	[tilespmem:s26+$0x154B0] =	vst v2;
	v2 =	vld [tilespmem:s26+$0xB580]  }
0x15c: {  	[tilespmem:s26+$0x15500] =	vst v3;
	v3 =	vld [tilespmem:s26+$0xB590]  }
0x15d: {  	s28 =	simm.s32 $0x200;
	s1 =	simm.s32 $0x1000;
	[tilespmem:s26+$0x15510] =	vst v4;
	v4 =	vld [tilespmem:s26+$0xB5A0]  }
.LBB2_14:
0x15e: {  	p0 =	sne.s32 s1, $0x13800;
	v5 =	vld [tilespmem:s28+$0xB5B0];
	[tilespmem:s26+$0x15520] =	vst v0  }
0x15f: {  	v0 =	vld [tilespmem:s28+$0xB400];
	[tilespmem:s26+$0x15530] =	vst v1  }
0x160: {  	v1 =	vld [tilespmem:s28+$0xB410];
	[tilespmem:s26+$0x15580] =	vst v2  }
0x161: {  	v2 =	vld [tilespmem:s28+$0xB420];
	[tilespmem:s26+$0x15590] =	vst v3  }
0x162: {  	v3 =	vld [tilespmem:s28+$0xB430];
	[tilespmem:s26+$0x155A0] =	vst v4;
	s26 =	smov.u32 s28  }
0x163: {  	v4 =	vld [tilespmem:s26+$0xB480];
	[tilespmem:s26+$0x155B0] =	vst v5  }
0x164: {  	[tilespmem:s26+$0x15400] =	vst v0;
	v0 =	vld [tilespmem:s26+$0xB490]  }
0x165: {  	[tilespmem:s26+$0x15410] =	vst v1;
	v1 =	vld [tilespmem:s26+$0xB4A0]  }
0x166: {  	[tilespmem:s26+$0x15420] =	vst v2;
	v2 =	vld [tilespmem:s26+$0xB4B0]  }
0x167: {  	[tilespmem:s26+$0x15430] =	vst v3;
	v3 =	vld [tilespmem:s26+$0xB500]  }
0x168: {  	[tilespmem:s26+$0x15480] =	vst v4;
	v4 =	vld [tilespmem:s26+$0xB510]  }
.Ltmp6:
0x169: {  	[tilespmem:s26+$0x15490] =	vst v0;
	v0 =	vld [tilespmem:s26+$0xB520];
	(pc) =	sbr.rel @p0 .LBB2_14-.Ltmp6, $4  }
0x16a: {  	[tilespmem:s26+$0x154A0] =	vst v1;
	v1 =	vld [tilespmem:s26+$0xB530]  }
0x16b: {  	[tilespmem:s26+$0x154B0] =	vst v2;
	v2 =	vld [tilespmem:s26+$0xB580]  }
0x16c: {  	[tilespmem:s26+$0x15500] =	vst v3;
	v3 =	vld [tilespmem:s26+$0xB590]  }
0x16d: {  	s28 =	sshra.s32 s1, $0x2;
	s1 =	sadd.s32 $0x800, s1;
	[tilespmem:s26+$0x15510] =	vst v4;
	v4 =	vld [tilespmem:s26+$0xB5A0]  }
0x16e: {  	v5 =	vld [tilespmem:s28+$0xB5B0];
	[tilespmem:s26+$0x15520] =	vst v0  }
0x16f: {  	v0 =	vld [tilespmem:s28+$0xB400];
	[tilespmem:s26+$0x15530] =	vst v1  }
0x170: {  	v1 =	vld [tilespmem:s28+$0xB410];
	[tilespmem:s26+$0x15580] =	vst v2  }
0x171: {  	v2 =	vld [tilespmem:s28+$0xB420];
	[tilespmem:s26+$0x15590] =	vst v3  }
0x172: {  	v3 =	vld [tilespmem:s28+$0xB430];
	[tilespmem:s26+$0x155A0] =	vst v4  }
0x173: {  	v4 =	vld [tilespmem:s28+$0xB480];
	[tilespmem:s28+$0x155B0] =	vst v5  }
0x174: {  	v54 =	vld [tilespmem:s28+$0xB490];
	[tilespmem:s28+$0x15400] =	vst v0  }
0x175: {  	v55 =	vld [tilespmem:s28+$0xB4A0];
	[tilespmem:s28+$0x15410] =	vst v1  }
0x176: {  	v56 =	vld [tilespmem:s28+$0xB4B0];
	[tilespmem:s28+$0x15420] =	vst v2  }
0x177: {  	v57 =	vld [tilespmem:s28+$0xB500];
	[tilespmem:s28+$0x15430] =	vst v3  }
0x178: {  	v58 =	vld [tilespmem:s28+$0xB510];
	[tilespmem:s28+$0x15480] =	vst v4  }
0x179: {  	v59 =	vld [tilespmem:s28+$0xB520];
	[tilespmem:s28+$0x15490] =	vst v54  }
0x17a: {  	v60 =	vld [tilespmem:s28+$0xB530];
	[tilespmem:s28+$0x154A0] =	vst v55  }
0x17b: {  	v61 =	vld [tilespmem:s28+$0xB580];
	[tilespmem:s28+$0x154B0] =	vst v56  }
0x17c: {  	v62 =	vld [tilespmem:s28+$0xB590];
	[tilespmem:s28+$0x15500] =	vst v57  }
0x17d: {  	v63 =	vld [tilespmem:s28+$0xB5A0];
	[tilespmem:s28+$0x15510] =	vst v58  }
0x17e: {  	[tilespmem:s28+$0x15520] =	vst v59  }
0x17f: {  	[tilespmem:s28+$0x15530] =	vst v60  }
0x180: {  	[tilespmem:s28+$0x15580] =	vst v61  }
0x181: {  	[tilespmem:s28+$0x15590] =	vst v62  }
0x182: {  	s25 =	sadd.s32 $0x1, s25;
	[tilespmem:s28+$0x155A0] =	vst v63  }
0x183: {  	[hbm4b:s11+s3] =	stream.linear.scatter [tilespmem:s21], [sflag:$0x4], $0x5000, $0x38;
	[tilespmem:$0x1A400] =	vst v63  }
0x184: {  	p0 =	sne.s32 s25, s12;
	_ =	swait.ge [sflag:s23], $0x5000  }
.Ltmp7:
0x185: {  	[sflag:s23] =	ssyncset.done $0x0;
	(pc) =	sbr.rel @p0 .LBB2_1-.Ltmp7, $4  }
0x186: {  	[sflag:s23] =	ssyncadd.s32 $0xFFFFB000  }
0x187: {  	_ =	swait.ge [sflag:s24], $0x5000  }
0x188: {  	[sflag:s24] =	ssyncset.done $0x0  }
0x189: {  	[sflag:s24] =	ssyncadd.s32 $0xFFFFB000  }
0x18a: {  	_ =	sfence.sel $0x180000  }
0x18b: {  	[bflag:$0x0] =	sbarrier.arrive $0xFFFF  }
0x18c: {  	_ =	strace $0x90000047  }
0x18d: {  	[bflag:$0x2] =	sbarrier.arrive $0xFFFF  }
0x18e: {  	p0 =	sne.s32 s0, $0x0;
	s0 =	rddreg [dreg:$0x3]  }
0x18f: {  	s0 =	sadd.s32 @!p0 $0x100000, s0  }
0x190: {  	[sflag:s0] =	ssyncadd.tile.s32 @!p0 $0x1;
	_ =	shalt  }
.Lfunc_end2:
_tile_overlayer_lowered:
.L_overlay_start_2:
0x191: {  	(tag) =	ssettag $0x2  }
0x192: {  	s0 =	rddreg [dreg:$0x0];
	s2 =	stileid.u32  }
0x193: {  	s1 =	rddreg [dreg:$0x1];
	p0 =	sne.s32 s2, $0x0  }
0x194: {  	s3 =	rddreg [dreg:$0x2];
	[bflag:$0x3] =	sbarrier.arrive $0xFFFF;
	s2 =	simm.s32 @!p0 $0x1C05  }
0x195: {  	[timem:s3], [sflag:s2] =	dma.local @!p0 [hbm:s0], s1  }
0x196: {  	s0 =	simm.s32 @!p0 $0x5  }
0x197: {  	_ =	swait.ge @!p0 [sflag:s0], s1  }
0x198: {  	s1 =	ssub.s32 @!p0 $0x0, s1;
	[sflag:s0] =	ssyncset.done @!p0 $0x0  }
0x199: {  	[sflag:s0] =	ssyncadd.s32 @!p0 s1  }
0x19a: {  	[bflag:$0x3] =	sbarrier.arrive $0xFFFF  }
0x19b: {  	_ =	shalt  }

</sc_bundles>
